<compile_context>
chip_gen: v7x
topology: tpu7x:2x2x1
jax: 0.10.2.dev20260603
libtpu: 0.0.44.dev20260713+nightly
codegen_flags: <defaults>
</compile_context>

<pallas_src>
import functools

import jax
import jax.numpy as jnp
from jax import lax
from jax.experimental import pallas as pl
from jax.experimental.pallas import tpu as pltpu
from jax.experimental.pallas import tpu_sc as plsc

BATCH = 16384
EMB = 64
NC = 2
NS = 16
NW = NC * NS
BPW = BATCH // NW
L = 16


def _body(u_hbm, i_hbm, ue_hbm, ie_hbm, ub_hbm, ib_hbm, gb_hbm, out_hbm,
          u_idx, i_idx, u_rows, i_rows, u_b, i_b, gb_v, out_v,
          sem0, sem1, sem2, sem3, sem4):
    wid = lax.axis_index("s") * NC + lax.axis_index("c")
    base = wid * BPW

    pltpu.sync_copy(u_hbm.at[pl.ds(base, BPW)], u_idx)
    pltpu.sync_copy(i_hbm.at[pl.ds(base, BPW)], i_idx)
    pltpu.sync_copy(gb_hbm, gb_v)

    cp0 = pltpu.async_copy(ue_hbm.at[u_idx], u_rows, sem0)
    cp1 = pltpu.async_copy(ie_hbm.at[i_idx], i_rows, sem1)
    cp2 = pltpu.async_copy(ub_hbm.at[u_idx], u_b, sem2)
    cp3 = pltpu.async_copy(ib_hbm.at[i_idx], i_b, sem3)
    cp0.wait()
    cp1.wait()
    cp2.wait()
    cp3.wait()

    gb = gb_v[...]
    iota = lax.iota(jnp.int32, L)

    def group(g, carry):
        rbase = g * L
        row_idx = rbase + iota
        acc = u_b[pl.ds(rbase, L)] + i_b[pl.ds(rbase, L)] + gb
        for c in range(EMB):
            ci = jnp.full((L,), c, jnp.int32)
            uv = plsc.load_gather(u_rows, [row_idx, ci])
            iv = plsc.load_gather(i_rows, [row_idx, ci])
            acc = acc + uv * iv
        out_v[pl.ds(rbase, L)] = acc
        return carry

    lax.fori_loop(0, BPW // L, group, 0, unroll=False)

    pltpu.sync_copy(out_v, out_hbm.at[pl.ds(base, BPW)])


def kernel(u, i, user_embed, item_embed, user_bias, item_bias, global_bias):
    mesh = plsc.VectorSubcoreMesh(core_axis_name="c", subcore_axis_name="s",
                                  num_cores=NC, num_subcores=NS)
    f = pl.kernel(
        _body,
        out_type=jax.ShapeDtypeStruct((BATCH,), jnp.float32),
        mesh=mesh,
        compiler_params=pltpu.CompilerParams(needs_layout_passes=False,
                                             use_tc_tiling_on_sc=False),
        scratch_types=[
            pltpu.VMEM((BPW,), jnp.int32),
            pltpu.VMEM((BPW,), jnp.int32),
            pltpu.VMEM((BPW, EMB), jnp.float32),
            pltpu.VMEM((BPW, EMB), jnp.float32),
            pltpu.VMEM((BPW,), jnp.float32),
            pltpu.VMEM((BPW,), jnp.float32),
            pltpu.VMEM((L,), jnp.float32),
            pltpu.VMEM((BPW,), jnp.float32),
            pltpu.SemaphoreType.DMA,
            pltpu.SemaphoreType.DMA,
            pltpu.SemaphoreType.DMA,
            pltpu.SemaphoreType.DMA,
            pltpu.SemaphoreType.DMA,
        ],
    )
    gb16 = jnp.broadcast_to(global_bias.astype(jnp.float32), (L,))
    return f(u.astype(jnp.int32), i.astype(jnp.int32),
             user_embed, item_embed,
             user_bias.reshape(-1), item_bias.reshape(-1), gb16)

# --- scband reference (transcript-rebuilt; emitter-appended) ---
"""Pipeline reference for scband-svdmodel-29703993819527 (READ-ONLY COPY).

The authoritative reference and input builder live on the scoring server;
editing this copy changes nothing except your own understanding.
"""

import jax, jax.numpy as jnp
import numpy as np

N_USERS = 1000000
N_ITEMS = 1000000
EMB = 64
BATCH = 16384
GM = 3.5

def setup_inputs(seed: int = 0) -> dict:
    key = jax.random.key(seed)
    k1, k2, k3, k4, k5, k6 = jax.random.split(key, 6)
    u = jax.random.randint(k1, (BATCH,), 0, N_USERS, dtype=jnp.int64) if jax.config.jax_enable_x64 else jax.random.randint(k1, (BATCH,), 0, N_USERS, dtype=jnp.int32)
    i = jax.random.randint(k2, (BATCH,), 0, N_ITEMS, dtype=u.dtype)
    user_embed = jax.random.normal(k3, (N_USERS, EMB), dtype=jnp.float32) * 0.01
    item_embed = jax.random.normal(k4, (N_ITEMS, EMB), dtype=jnp.float32) * 0.01
    user_bias = jax.random.normal(k5, (N_USERS, 1), dtype=jnp.float32) * 0.01
    item_bias = jax.random.normal(k6, (N_ITEMS, 1), dtype=jnp.float32) * 0.01
    global_bias = jnp.array([GM], dtype=jnp.float32)
    return {"u": u, "i": i, "user_embed": user_embed, "item_embed": item_embed, "user_bias": user_bias, "item_bias": item_bias, "global_bias": global_bias}

def reference(u, i, user_embed, item_embed, user_bias, item_bias, global_bias):
    u_vec = jnp.take(user_embed, u, axis=0)
    i_vec = jnp.take(item_embed, i, axis=0)
    dot = (u_vec * i_vec).sum(axis=1)
    b_u = jnp.take(user_bias, u, axis=0).squeeze()
    b_i = jnp.take(item_bias, i, axis=0).squeeze()
    return global_bias + b_u + b_i + dot

if __name__ == "__main__":
    import jax
    _d = setup_inputs()
    print(jax.jit(kernel)(*tuple(_d.values())))

</pallas_src>

<mosaic_0001>
#map = affine_map<(d0, d1) -> (0)>
#map1 = affine_map<(d0, d1) -> (0, 0)>
module attributes {stable_mosaic.version = 14 : i64} {
  func.func @_body(%arg0: i32, %arg1: i32, %arg2: memref<16384xi32, #tpu.memory_space<hbm>>, %arg3: memref<16384xi32, #tpu.memory_space<hbm>>, %arg4: memref<1000000x64xf32, #tpu.memory_space<hbm>>, %arg5: memref<1000000x64xf32, #tpu.memory_space<hbm>>, %arg6: memref<1000000xf32, #tpu.memory_space<hbm>>, %arg7: memref<1000000xf32, #tpu.memory_space<hbm>>, %arg8: memref<16xf32, #tpu.memory_space<hbm>>, %arg9: memref<16384xf32, #tpu.memory_space<hbm>>, %arg10: memref<512xi32, #tpu.memory_space<vmem>>, %arg11: memref<512xi32, #tpu.memory_space<vmem>>, %arg12: memref<512x64xf32, #tpu.memory_space<vmem>>, %arg13: memref<512x64xf32, #tpu.memory_space<vmem>>, %arg14: memref<512xf32, #tpu.memory_space<vmem>>, %arg15: memref<512xf32, #tpu.memory_space<vmem>>, %arg16: memref<16xf32, #tpu.memory_space<vmem>>, %arg17: memref<512xf32, #tpu.memory_space<vmem>>, %arg18: memref<!tpu.dma_semaphore, #tpu.memory_space<semaphore_mem>>, %arg19: memref<!tpu.dma_semaphore, #tpu.memory_space<semaphore_mem>>, %arg20: memref<!tpu.dma_semaphore, #tpu.memory_space<semaphore_mem>>, %arg21: memref<!tpu.dma_semaphore, #tpu.memory_space<semaphore_mem>>, %arg22: memref<!tpu.dma_semaphore, #tpu.memory_space<semaphore_mem>>) attributes {dimension_semantics = [#tpu.dimension_semantics<core_parallel>, #tpu.dimension_semantics<subcore_parallel>], iteration_bounds = array<i64: 2, 16>, scalar_prefetch = 0 : i64, scratch_operands = 13 : i64, tpu.core_type = #tpu.core_type<sc_vector_subcore>, window_params = [{transform_indices = #map}, {transform_indices = #map}, {transform_indices = #map1}, {transform_indices = #map1}, {transform_indices = #map}, {transform_indices = #map}, {transform_indices = #map}, {transform_indices = #map}]} {
    %mul3A = arith.constant 2 : i32
    %mul3A_0 = arith.muli %arg1, %mul3A : i32
    %add3A = arith.addi %mul3A_0, %arg0 : i32
    %mul3A_1 = arith.constant 512 : i32
    %mul3A_2 = arith.muli %add3A, %mul3A_1 : i32
    "tpu.region"() ({
      %run_scoped3A = tpu.sem_alloc : memref<!tpu.dma_semaphore, #tpu.memory_space<semaphore_mem>>
      %dma_start3A_27 = tpu.memref_slice %arg2[%mul3A_2] : memref<16384xi32, #tpu.memory_space<hbm>> -> memref<512xi32, #tpu.memory_space<hbm>>
      %dma_start3A_28 = tpu.memref_slice %arg2[%mul3A_2] : memref<16384xi32, #tpu.memory_space<hbm>> -> memref<512xi32, #tpu.memory_space<hbm>>
      tpu.enqueue_dma source(%dma_start3A_28 : memref<512xi32, #tpu.memory_space<hbm>>) target(%arg10 : memref<512xi32, #tpu.memory_space<vmem>>) target_semaphore(%run_scoped3A : memref<!tpu.dma_semaphore, #tpu.memory_space<semaphore_mem>>)
      %dma_wait3A_29 = tpu.memref_slice %arg2[%mul3A_2] : memref<16384xi32, #tpu.memory_space<hbm>> -> memref<512xi32, #tpu.memory_space<hbm>>
      %dma_wait3A_30 = tpu.memref_slice %arg2[%mul3A_2] : memref<16384xi32, #tpu.memory_space<hbm>> -> memref<512xi32, #tpu.memory_space<hbm>>
      tpu.wait_dma2 semaphore(%run_scoped3A : memref<!tpu.dma_semaphore, #tpu.memory_space<semaphore_mem>>) src(%dma_wait3A_30 : memref<512xi32, #tpu.memory_space<hbm>>) dst(%arg10 : memref<512xi32, #tpu.memory_space<vmem>>)
      tpu.yield
    }) : () -> ()
    "tpu.region"() ({
      %run_scoped3A = tpu.sem_alloc : memref<!tpu.dma_semaphore, #tpu.memory_space<semaphore_mem>>
      %dma_start3A_27 = tpu.memref_slice %arg3[%mul3A_2] : memref<16384xi32, #tpu.memory_space<hbm>> -> memref<512xi32, #tpu.memory_space<hbm>>
      %dma_start3A_28 = tpu.memref_slice %arg3[%mul3A_2] : memref<16384xi32, #tpu.memory_space<hbm>> -> memref<512xi32, #tpu.memory_space<hbm>>
      tpu.enqueue_dma source(%dma_start3A_28 : memref<512xi32, #tpu.memory_space<hbm>>) target(%arg11 : memref<512xi32, #tpu.memory_space<vmem>>) target_semaphore(%run_scoped3A : memref<!tpu.dma_semaphore, #tpu.memory_space<semaphore_mem>>)
      %dma_wait3A_29 = tpu.memref_slice %arg3[%mul3A_2] : memref<16384xi32, #tpu.memory_space<hbm>> -> memref<512xi32, #tpu.memory_space<hbm>>
      %dma_wait3A_30 = tpu.memref_slice %arg3[%mul3A_2] : memref<16384xi32, #tpu.memory_space<hbm>> -> memref<512xi32, #tpu.memory_space<hbm>>
      tpu.wait_dma2 semaphore(%run_scoped3A : memref<!tpu.dma_semaphore, #tpu.memory_space<semaphore_mem>>) src(%dma_wait3A_30 : memref<512xi32, #tpu.memory_space<hbm>>) dst(%arg11 : memref<512xi32, #tpu.memory_space<vmem>>)
      tpu.yield
    }) : () -> ()
    "tpu.region"() ({
      %run_scoped3A = tpu.sem_alloc : memref<!tpu.dma_semaphore, #tpu.memory_space<semaphore_mem>>
      tpu.enqueue_dma source(%arg8 : memref<16xf32, #tpu.memory_space<hbm>>) target(%arg16 : memref<16xf32, #tpu.memory_space<vmem>>) target_semaphore(%run_scoped3A : memref<!tpu.dma_semaphore, #tpu.memory_space<semaphore_mem>>)
      tpu.wait_dma2 semaphore(%run_scoped3A : memref<!tpu.dma_semaphore, #tpu.memory_space<semaphore_mem>>) src(%arg8 : memref<16xf32, #tpu.memory_space<hbm>>) dst(%arg16 : memref<16xf32, #tpu.memory_space<vmem>>)
      tpu.yield
    }) : () -> ()
    %dma_start3A = arith.constant 0 : i32
    %dma_start3A_3 = arith.constant 0 : i32
    %dma_start3A_4 = tpu.memref_slice %arg4[%dma_start3A, %dma_start3A_3] : memref<1000000x64xf32, #tpu.memory_space<hbm>> -> memref<1000000x64xf32, #tpu.memory_space<hbm>>
    tpu.enqueue_indirect_dma source(%dma_start3A_4 : memref<1000000x64xf32, #tpu.memory_space<hbm>>) target(%arg12 : memref<512x64xf32, #tpu.memory_space<vmem>>) offsets(%arg10 : memref<512xi32, #tpu.memory_space<vmem>>) semaphore(%arg18 : memref<!tpu.dma_semaphore, #tpu.memory_space<semaphore_mem>>)
    %dma_start3A_5 = arith.constant 0 : i32
    %dma_start3A_6 = arith.constant 0 : i32
    %dma_start3A_7 = tpu.memref_slice %arg5[%dma_start3A_5, %dma_start3A_6] : memref<1000000x64xf32, #tpu.memory_space<hbm>> -> memref<1000000x64xf32, #tpu.memory_space<hbm>>
    tpu.enqueue_indirect_dma source(%dma_start3A_7 : memref<1000000x64xf32, #tpu.memory_space<hbm>>) target(%arg13 : memref<512x64xf32, #tpu.memory_space<vmem>>) offsets(%arg11 : memref<512xi32, #tpu.memory_space<vmem>>) semaphore(%arg19 : memref<!tpu.dma_semaphore, #tpu.memory_space<semaphore_mem>>)
    %dma_start3A_8 = arith.constant 0 : i32
    %dma_start3A_9 = tpu.memref_slice %arg6[%dma_start3A_8] : memref<1000000xf32, #tpu.memory_space<hbm>> -> memref<1000000xf32, #tpu.memory_space<hbm>>
    tpu.enqueue_indirect_dma source(%dma_start3A_9 : memref<1000000xf32, #tpu.memory_space<hbm>>) target(%arg14 : memref<512xf32, #tpu.memory_space<vmem>>) offsets(%arg10 : memref<512xi32, #tpu.memory_space<vmem>>) semaphore(%arg20 : memref<!tpu.dma_semaphore, #tpu.memory_space<semaphore_mem>>)
    %dma_start3A_10 = arith.constant 0 : i32
    %dma_start3A_11 = tpu.memref_slice %arg7[%dma_start3A_10] : memref<1000000xf32, #tpu.memory_space<hbm>> -> memref<1000000xf32, #tpu.memory_space<hbm>>
    tpu.enqueue_indirect_dma source(%dma_start3A_11 : memref<1000000xf32, #tpu.memory_space<hbm>>) target(%arg15 : memref<512xf32, #tpu.memory_space<vmem>>) offsets(%arg11 : memref<512xi32, #tpu.memory_space<vmem>>) semaphore(%arg21 : memref<!tpu.dma_semaphore, #tpu.memory_space<semaphore_mem>>)
    %dma_wait3A = arith.constant 0 : i32
    %dma_wait3A_12 = arith.constant 0 : i32
    %dma_wait3A_13 = tpu.memref_slice %arg4[%dma_wait3A, %dma_wait3A_12] : memref<1000000x64xf32, #tpu.memory_space<hbm>> -> memref<1000000x64xf32, #tpu.memory_space<hbm>>
    tpu.wait_indirect_dma semaphore(%arg18 : memref<!tpu.dma_semaphore, #tpu.memory_space<semaphore_mem>>) src(%dma_wait3A_13 : memref<1000000x64xf32, #tpu.memory_space<hbm>>) dst(%arg12 : memref<512x64xf32, #tpu.memory_space<vmem>>)
    %dma_wait3A_14 = arith.constant 0 : i32
    %dma_wait3A_15 = arith.constant 0 : i32
    %dma_wait3A_16 = tpu.memref_slice %arg5[%dma_wait3A_14, %dma_wait3A_15] : memref<1000000x64xf32, #tpu.memory_space<hbm>> -> memref<1000000x64xf32, #tpu.memory_space<hbm>>
    tpu.wait_indirect_dma semaphore(%arg19 : memref<!tpu.dma_semaphore, #tpu.memory_space<semaphore_mem>>) src(%dma_wait3A_16 : memref<1000000x64xf32, #tpu.memory_space<hbm>>) dst(%arg13 : memref<512x64xf32, #tpu.memory_space<vmem>>)
    %dma_wait3A_17 = arith.constant 0 : i32
    %dma_wait3A_18 = tpu.memref_slice %arg6[%dma_wait3A_17] : memref<1000000xf32, #tpu.memory_space<hbm>> -> memref<1000000xf32, #tpu.memory_space<hbm>>
    tpu.wait_indirect_dma semaphore(%arg20 : memref<!tpu.dma_semaphore, #tpu.memory_space<semaphore_mem>>) src(%dma_wait3A_18 : memref<1000000xf32, #tpu.memory_space<hbm>>) dst(%arg14 : memref<512xf32, #tpu.memory_space<vmem>>)
    %dma_wait3A_19 = arith.constant 0 : i32
    %dma_wait3A_20 = tpu.memref_slice %arg7[%dma_wait3A_19] : memref<1000000xf32, #tpu.memory_space<hbm>> -> memref<1000000xf32, #tpu.memory_space<hbm>>
    tpu.wait_indirect_dma semaphore(%arg21 : memref<!tpu.dma_semaphore, #tpu.memory_space<semaphore_mem>>) src(%dma_wait3A_20 : memref<1000000xf32, #tpu.memory_space<hbm>>) dst(%arg15 : memref<512xf32, #tpu.memory_space<vmem>>)
    %get3A = arith.constant 0 : index
    %get3A_21 = tpu.vector_load %arg16[%get3A] {strides = array<i32>} : memref<16xf32, #tpu.memory_space<vmem>>, vector<16xf32>,
    %iota3A = tpu.iota {dimensions = array<i32: 0>} : vector<16xi32>
    %scan3A = arith.constant 0 : i32
    %scan3A_22 = arith.constant 0 : i32
    %scan3A_23 = arith.constant 32 : i32
    %scan3A_24 = arith.addi %scan3A_22, %scan3A_23 : i32
    %scan3A_25 = arith.constant 1 : i32
    scf.for %scan3A_27 = %scan3A_22 to %scan3A_24 step %scan3A_25  : i32 {
      %mul3A_28 = arith.constant 16 : i32
      %mul3A_29 = arith.muli %scan3A_27, %mul3A_28 : i32
      %add3A_30 = vector.broadcast %mul3A_29 : i32 to vector<16xi32>
      %add3A_31 = arith.addi %add3A_30, %iota3A : vector<16xi32>
      %get3A_32 = arith.index_cast %mul3A_29 : i32 to index
      %get3A_33 = tpu.vector_load %arg14[%get3A_32] {strides = array<i32>} : memref<512xf32, #tpu.memory_space<vmem>>, vector<16xf32>,
      %get3A_34 = arith.index_cast %mul3A_29 : i32 to index
      %get3A_35 = tpu.vector_load %arg15[%get3A_34] {strides = array<i32>} : memref<512xf32, #tpu.memory_space<vmem>>, vector<16xf32>,
      %add3A_36 = arith.addf %get3A_33, %get3A_35 : vector<16xf32>
      %add3A_37 = arith.addf %add3A_36, %get3A_21 : vector<16xf32>
      %broadcast_in_dim3A = arith.constant 0 : i32
      %broadcast_in_dim3A_38 = vector.broadcast %broadcast_in_dim3A : i32 to vector<16xi32>
      %gather3A = tpu.vector_load_idx %arg12[%add3A_31, %broadcast_in_dim3A_38] : memref<512x64xf32, #tpu.memory_space<vmem>>[vector<16xi32>, vector<16xi32>], vector<16xf32>,
      %gather3A_39 = tpu.vector_load_idx %arg13[%add3A_31, %broadcast_in_dim3A_38] : memref<512x64xf32, #tpu.memory_space<vmem>>[vector<16xi32>, vector<16xi32>], vector<16xf32>,
      %mul3A_40 = arith.mulf %gather3A, %gather3A_39 : vector<16xf32>
      %add3A_41 = arith.addf %add3A_37, %mul3A_40 : vector<16xf32>
      %broadcast_in_dim3A_42 = arith.constant 1 : i32
      %broadcast_in_dim3A_43 = vector.broadcast %broadcast_in_dim3A_42 : i32 to vector<16xi32>
      %gather3A_44 = tpu.vector_load_idx %arg12[%add3A_31, %broadcast_in_dim3A_43] : memref<512x64xf32, #tpu.memory_space<vmem>>[vector<16xi32>, vector<16xi32>], vector<16xf32>,
      %gather3A_45 = tpu.vector_load_idx %arg13[%add3A_31, %broadcast_in_dim3A_43] : memref<512x64xf32, #tpu.memory_space<vmem>>[vector<16xi32>, vector<16xi32>], vector<16xf32>,
      %mul3A_46 = arith.mulf %gather3A_44, %gather3A_45 : vector<16xf32>
      %add3A_47 = arith.addf %add3A_41, %mul3A_46 : vector<16xf32>
      %broadcast_in_dim3A_48 = arith.constant 2 : i32
      %broadcast_in_dim3A_49 = vector.broadcast %broadcast_in_dim3A_48 : i32 to vector<16xi32>
      %gather3A_50 = tpu.vector_load_idx %arg12[%add3A_31, %broadcast_in_dim3A_49] : memref<512x64xf32, #tpu.memory_space<vmem>>[vector<16xi32>, vector<16xi32>], vector<16xf32>,
      %gather3A_51 = tpu.vector_load_idx %arg13[%add3A_31, %broadcast_in_dim3A_49] : memref<512x64xf32, #tpu.memory_space<vmem>>[vector<16xi32>, vector<16xi32>], vector<16xf32>,
      %mul3A_52 = arith.mulf %gather3A_50, %gather3A_51 : vector<16xf32>
      %add3A_53 = arith.addf %add3A_47, %mul3A_52 : vector<16xf32>
      %broadcast_in_dim3A_54 = arith.constant 3 : i32
      %broadcast_in_dim3A_55 = vector.broadcast %broadcast_in_dim3A_54 : i32 to vector<16xi32>
      %gather3A_56 = tpu.vector_load_idx %arg12[%add3A_31, %broadcast_in_dim3A_55] : memref<512x64xf32, #tpu.memory_space<vmem>>[vector<16xi32>, vector<16xi32>], vector<16xf32>,
      %gather3A_57 = tpu.vector_load_idx %arg13[%add3A_31, %broadcast_in_dim3A_55] : memref<512x64xf32, #tpu.memory_space<vmem>>[vector<16xi32>, vector<16xi32>], vector<16xf32>,
      %mul3A_58 = arith.mulf %gather3A_56, %gather3A_57 : vector<16xf32>
      %add3A_59 = arith.addf %add3A_53, %mul3A_58 : vector<16xf32>
      %broadcast_in_dim3A_60 = arith.constant 4 : i32
      %broadcast_in_dim3A_61 = vector.broadcast %broadcast_in_dim3A_60 : i32 to vector<16xi32>
      %gather3A_62 = tpu.vector_load_idx %arg12[%add3A_31, %broadcast_in_dim3A_61] : memref<512x64xf32, #tpu.memory_space<vmem>>[vector<16xi32>, vector<16xi32>], vector<16xf32>,
      %gather3A_63 = tpu.vector_load_idx %arg13[%add3A_31, %broadcast_in_dim3A_61] : memref<512x64xf32, #tpu.memory_space<vmem>>[vector<16xi32>, vector<16xi32>], vector<16xf32>,
      %mul3A_64 = arith.mulf %gather3A_62, %gather3A_63 : vector<16xf32>
      %add3A_65 = arith.addf %add3A_59, %mul3A_64 : vector<16xf32>
      %broadcast_in_dim3A_66 = arith.constant 5 : i32
      %broadcast_in_dim3A_67 = vector.broadcast %broadcast_in_dim3A_66 : i32 to vector<16xi32>
      %gather3A_68 = tpu.vector_load_idx %arg12[%add3A_31, %broadcast_in_dim3A_67] : memref<512x64xf32, #tpu.memory_space<vmem>>[vector<16xi32>, vector<16xi32>], vector<16xf32>,
      %gather3A_69 = tpu.vector_load_idx %arg13[%add3A_31, %broadcast_in_dim3A_67] : memref<512x64xf32, #tpu.memory_space<vmem>>[vector<16xi32>, vector<16xi32>], vector<16xf32>,
      %mul3A_70 = arith.mulf %gather3A_68, %gather3A_69 : vector<16xf32>
      %add3A_71 = arith.addf %add3A_65, %mul3A_70 : vector<16xf32>
      %broadcast_in_dim3A_72 = arith.constant 6 : i32
      %broadcast_in_dim3A_73 = vector.broadcast %broadcast_in_dim3A_72 : i32 to vector<16xi32>
      %gather3A_74 = tpu.vector_load_idx %arg12[%add3A_31, %broadcast_in_dim3A_73] : memref<512x64xf32, #tpu.memory_space<vmem>>[vector<16xi32>, vector<16xi32>], vector<16xf32>,
      %gather3A_75 = tpu.vector_load_idx %arg13[%add3A_31, %broadcast_in_dim3A_73] : memref<512x64xf32, #tpu.memory_space<vmem>>[vector<16xi32>, vector<16xi32>], vector<16xf32>,
      %mul3A_76 = arith.mulf %gather3A_74, %gather3A_75 : vector<16xf32>
      %add3A_77 = arith.addf %add3A_71, %mul3A_76 : vector<16xf32>
      %broadcast_in_dim3A_78 = arith.constant 7 : i32
      %broadcast_in_dim3A_79 = vector.broadcast %broadcast_in_dim3A_78 : i32 to vector<16xi32>
      %gather3A_80 = tpu.vector_load_idx %arg12[%add3A_31, %broadcast_in_dim3A_79] : memref<512x64xf32, #tpu.memory_space<vmem>>[vector<16xi32>, vector<16xi32>], vector<16xf32>,
      %gather3A_81 = tpu.vector_load_idx %arg13[%add3A_31, %broadcast_in_dim3A_79] : memref<512x64xf32, #tpu.memory_space<vmem>>[vector<16xi32>, vector<16xi32>], vector<16xf32>,
      %mul3A_82 = arith.mulf %gather3A_80, %gather3A_81 : vector<16xf32>
      %add3A_83 = arith.addf %add3A_77, %mul3A_82 : vector<16xf32>
      %broadcast_in_dim3A_84 = arith.constant 8 : i32
      %broadcast_in_dim3A_85 = vector.broadcast %broadcast_in_dim3A_84 : i32 to vector<16xi32>
      %gather3A_86 = tpu.vector_load_idx %arg12[%add3A_31, %broadcast_in_dim3A_85] : memref<512x64xf32, #tpu.memory_space<vmem>>[vector<16xi32>, vector<16xi32>], vector<16xf32>,
      %gather3A_87 = tpu.vector_load_idx %arg13[%add3A_31, %broadcast_in_dim3A_85] : memref<512x64xf32, #tpu.memory_space<vmem>>[vector<16xi32>, vector<16xi32>], vector<16xf32>,
      %mul3A_88 = arith.mulf %gather3A_86, %gather3A_87 : vector<16xf32>
      %add3A_89 = arith.addf %add3A_83, %mul3A_88 : vector<16xf32>
      %broadcast_in_dim3A_90 = arith.constant 9 : i32
      %broadcast_in_dim3A_91 = vector.broadcast %broadcast_in_dim3A_90 : i32 to vector<16xi32>
      %gather3A_92 = tpu.vector_load_idx %arg12[%add3A_31, %broadcast_in_dim3A_91] : memref<512x64xf32, #tpu.memory_space<vmem>>[vector<16xi32>, vector<16xi32>], vector<16xf32>,
      %gather3A_93 = tpu.vector_load_idx %arg13[%add3A_31, %broadcast_in_dim3A_91] : memref<512x64xf32, #tpu.memory_space<vmem>>[vector<16xi32>, vector<16xi32>], vector<16xf32>,
      %mul3A_94 = arith.mulf %gather3A_92, %gather3A_93 : vector<16xf32>
      %add3A_95 = arith.addf %add3A_89, %mul3A_94 : vector<16xf32>
      %broadcast_in_dim3A_96 = arith.constant 10 : i32
      %broadcast_in_dim3A_97 = vector.broadcast %broadcast_in_dim3A_96 : i32 to vector<16xi32>
      %gather3A_98 = tpu.vector_load_idx %arg12[%add3A_31, %broadcast_in_dim3A_97] : memref<512x64xf32, #tpu.memory_space<vmem>>[vector<16xi32>, vector<16xi32>], vector<16xf32>,
      %gather3A_99 = tpu.vector_load_idx %arg13[%add3A_31, %broadcast_in_dim3A_97] : memref<512x64xf32, #tpu.memory_space<vmem>>[vector<16xi32>, vector<16xi32>], vector<16xf32>,
      %mul3A_100 = arith.mulf %gather3A_98, %gather3A_99 : vector<16xf32>
      %add3A_101 = arith.addf %add3A_95, %mul3A_100 : vector<16xf32>
      %broadcast_in_dim3A_102 = arith.constant 11 : i32
      %broadcast_in_dim3A_103 = vector.broadcast %broadcast_in_dim3A_102 : i32 to vector<16xi32>
      %gather3A_104 = tpu.vector_load_idx %arg12[%add3A_31, %broadcast_in_dim3A_103] : memref<512x64xf32, #tpu.memory_space<vmem>>[vector<16xi32>, vector<16xi32>], vector<16xf32>,
      %gather3A_105 = tpu.vector_load_idx %arg13[%add3A_31, %broadcast_in_dim3A_103] : memref<512x64xf32, #tpu.memory_space<vmem>>[vector<16xi32>, vector<16xi32>], vector<16xf32>,
      %mul3A_106 = arith.mulf %gather3A_104, %gather3A_105 : vector<16xf32>
      %add3A_107 = arith.addf %add3A_101, %mul3A_106 : vector<16xf32>
      %broadcast_in_dim3A_108 = arith.constant 12 : i32
      %broadcast_in_dim3A_109 = vector.broadcast %broadcast_in_dim3A_108 : i32 to vector<16xi32>
      %gather3A_110 = tpu.vector_load_idx %arg12[%add3A_31, %broadcast_in_dim3A_109] : memref<512x64xf32, #tpu.memory_space<vmem>>[vector<16xi32>, vector<16xi32>], vector<16xf32>,
      %gather3A_111 = tpu.vector_load_idx %arg13[%add3A_31, %broadcast_in_dim3A_109] : memref<512x64xf32, #tpu.memory_space<vmem>>[vector<16xi32>, vector<16xi32>], vector<16xf32>,
      %mul3A_112 = arith.mulf %gather3A_110, %gather3A_111 : vector<16xf32>
      %add3A_113 = arith.addf %add3A_107, %mul3A_112 : vector<16xf32>
      %broadcast_in_dim3A_114 = arith.constant 13 : i32
      %broadcast_in_dim3A_115 = vector.broadcast %broadcast_in_dim3A_114 : i32 to vector<16xi32>
      %gather3A_116 = tpu.vector_load_idx %arg12[%add3A_31, %broadcast_in_dim3A_115] : memref<512x64xf32, #tpu.memory_space<vmem>>[vector<16xi32>, vector<16xi32>], vector<16xf32>,
      %gather3A_117 = tpu.vector_load_idx %arg13[%add3A_31, %broadcast_in_dim3A_115] : memref<512x64xf32, #tpu.memory_space<vmem>>[vector<16xi32>, vector<16xi32>], vector<16xf32>,
      %mul3A_118 = arith.mulf %gather3A_116, %gather3A_117 : vector<16xf32>
      %add3A_119 = arith.addf %add3A_113, %mul3A_118 : vector<16xf32>
      %broadcast_in_dim3A_120 = arith.constant 14 : i32
      %broadcast_in_dim3A_121 = vector.broadcast %broadcast_in_dim3A_120 : i32 to vector<16xi32>
      %gather3A_122 = tpu.vector_load_idx %arg12[%add3A_31, %broadcast_in_dim3A_121] : memref<512x64xf32, #tpu.memory_space<vmem>>[vector<16xi32>, vector<16xi32>], vector<16xf32>,
      %gather3A_123 = tpu.vector_load_idx %arg13[%add3A_31, %broadcast_in_dim3A_121] : memref<512x64xf32, #tpu.memory_space<vmem>>[vector<16xi32>, vector<16xi32>], vector<16xf32>,
      %mul3A_124 = arith.mulf %gather3A_122, %gather3A_123 : vector<16xf32>
      %add3A_125 = arith.addf %add3A_119, %mul3A_124 : vector<16xf32>
      %broadcast_in_dim3A_126 = arith.constant 15 : i32
      %broadcast_in_dim3A_127 = vector.broadcast %broadcast_in_dim3A_126 : i32 to vector<16xi32>
      %gather3A_128 = tpu.vector_load_idx %arg12[%add3A_31, %broadcast_in_dim3A_127] : memref<512x64xf32, #tpu.memory_space<vmem>>[vector<16xi32>, vector<16xi32>], vector<16xf32>,
      %gather3A_129 = tpu.vector_load_idx %arg13[%add3A_31, %broadcast_in_dim3A_127] : memref<512x64xf32, #tpu.memory_space<vmem>>[vector<16xi32>, vector<16xi32>], vector<16xf32>,
      %mul3A_130 = arith.mulf %gather3A_128, %gather3A_129 : vector<16xf32>
      %add3A_131 = arith.addf %add3A_125, %mul3A_130 : vector<16xf32>
      %broadcast_in_dim3A_132 = arith.constant 16 : i32
      %broadcast_in_dim3A_133 = vector.broadcast %broadcast_in_dim3A_132 : i32 to vector<16xi32>
      %gather3A_134 = tpu.vector_load_idx %arg12[%add3A_31, %broadcast_in_dim3A_133] : memref<512x64xf32, #tpu.memory_space<vmem>>[vector<16xi32>, vector<16xi32>], vector<16xf32>,
      %gather3A_135 = tpu.vector_load_idx %arg13[%add3A_31, %broadcast_in_dim3A_133] : memref<512x64xf32, #tpu.memory_space<vmem>>[vector<16xi32>, vector<16xi32>], vector<16xf32>,
      %mul3A_136 = arith.mulf %gather3A_134, %gather3A_135 : vector<16xf32>
      %add3A_137 = arith.addf %add3A_131, %mul3A_136 : vector<16xf32>
      %broadcast_in_dim3A_138 = arith.constant 17 : i32
      %broadcast_in_dim3A_139 = vector.broadcast %broadcast_in_dim3A_138 : i32 to vector<16xi32>
      %gather3A_140 = tpu.vector_load_idx %arg12[%add3A_31, %broadcast_in_dim3A_139] : memref<512x64xf32, #tpu.memory_space<vmem>>[vector<16xi32>, vector<16xi32>], vector<16xf32>,
      %gather3A_141 = tpu.vector_load_idx %arg13[%add3A_31, %broadcast_in_dim3A_139] : memref<512x64xf32, #tpu.memory_space<vmem>>[vector<16xi32>, vector<16xi32>], vector<16xf32>,
      %mul3A_142 = arith.mulf %gather3A_140, %gather3A_141 : vector<16xf32>
      %add3A_143 = arith.addf %add3A_137, %mul3A_142 : vector<16xf32>
      %broadcast_in_dim3A_144 = arith.constant 18 : i32
      %broadcast_in_dim3A_145 = vector.broadcast %broadcast_in_dim3A_144 : i32 to vector<16xi32>
      %gather3A_146 = tpu.vector_load_idx %arg12[%add3A_31, %broadcast_in_dim3A_145] : memref<512x64xf32, #tpu.memory_space<vmem>>[vector<16xi32>, vector<16xi32>], vector<16xf32>,
      %gather3A_147 = tpu.vector_load_idx %arg13[%add3A_31, %broadcast_in_dim3A_145] : memref<512x64xf32, #tpu.memory_space<vmem>>[vector<16xi32>, vector<16xi32>], vector<16xf32>,
      %mul3A_148 = arith.mulf %gather3A_146, %gather3A_147 : vector<16xf32>
      %add3A_149 = arith.addf %add3A_143, %mul3A_148 : vector<16xf32>
      %broadcast_in_dim3A_150 = arith.constant 19 : i32
      %broadcast_in_dim3A_151 = vector.broadcast %broadcast_in_dim3A_150 : i32 to vector<16xi32>
      %gather3A_152 = tpu.vector_load_idx %arg12[%add3A_31, %broadcast_in_dim3A_151] : memref<512x64xf32, #tpu.memory_space<vmem>>[vector<16xi32>, vector<16xi32>], vector<16xf32>,
      %gather3A_153 = tpu.vector_load_idx %arg13[%add3A_31, %broadcast_in_dim3A_151] : memref<512x64xf32, #tpu.memory_space<vmem>>[vector<16xi32>, vector<16xi32>], vector<16xf32>,
      %mul3A_154 = arith.mulf %gather3A_152, %gather3A_153 : vector<16xf32>
      %add3A_155 = arith.addf %add3A_149, %mul3A_154 : vector<16xf32>
      %broadcast_in_dim3A_156 = arith.constant 20 : i32
      %broadcast_in_dim3A_157 = vector.broadcast %broadcast_in_dim3A_156 : i32 to vector<16xi32>
      %gather3A_158 = tpu.vector_load_idx %arg12[%add3A_31, %broadcast_in_dim3A_157] : memref<512x64xf32, #tpu.memory_space<vmem>>[vector<16xi32>, vector<16xi32>], vector<16xf32>,
      %gather3A_159 = tpu.vector_load_idx %arg13[%add3A_31, %broadcast_in_dim3A_157] : memref<512x64xf32, #tpu.memory_space<vmem>>[vector<16xi32>, vector<16xi32>], vector<16xf32>,
      %mul3A_160 = arith.mulf %gather3A_158, %gather3A_159 : vector<16xf32>
      %add3A_161 = arith.addf %add3A_155, %mul3A_160 : vector<16xf32>
      %broadcast_in_dim3A_162 = arith.constant 21 : i32
      %broadcast_in_dim3A_163 = vector.broadcast %broadcast_in_dim3A_162 : i32 to vector<16xi32>
      %gather3A_164 = tpu.vector_load_idx %arg12[%add3A_31, %broadcast_in_dim3A_163] : memref<512x64xf32, #tpu.memory_space<vmem>>[vector<16xi32>, vector<16xi32>], vector<16xf32>,
      %gather3A_165 = tpu.vector_load_idx %arg13[%add3A_31, %broadcast_in_dim3A_163] : memref<512x64xf32, #tpu.memory_space<vmem>>[vector<16xi32>, vector<16xi32>], vector<16xf32>,
      %mul3A_166 = arith.mulf %gather3A_164, %gather3A_165 : vector<16xf32>
      %add3A_167 = arith.addf %add3A_161, %mul3A_166 : vector<16xf32>
      %broadcast_in_dim3A_168 = arith.constant 22 : i32
      %broadcast_in_dim3A_169 = vector.broadcast %broadcast_in_dim3A_168 : i32 to vector<16xi32>
      %gather3A_170 = tpu.vector_load_idx %arg12[%add3A_31, %broadcast_in_dim3A_169] : memref<512x64xf32, #tpu.memory_space<vmem>>[vector<16xi32>, vector<16xi32>], vector<16xf32>,
      %gather3A_171 = tpu.vector_load_idx %arg13[%add3A_31, %broadcast_in_dim3A_169] : memref<512x64xf32, #tpu.memory_space<vmem>>[vector<16xi32>, vector<16xi32>], vector<16xf32>,
      %mul3A_172 = arith.mulf %gather3A_170, %gather3A_171 : vector<16xf32>
      %add3A_173 = arith.addf %add3A_167, %mul3A_172 : vector<16xf32>
      %broadcast_in_dim3A_174 = arith.constant 23 : i32
      %broadcast_in_dim3A_175 = vector.broadcast %broadcast_in_dim3A_174 : i32 to vector<16xi32>
      %gather3A_176 = tpu.vector_load_idx %arg12[%add3A_31, %broadcast_in_dim3A_175] : memref<512x64xf32, #tpu.memory_space<vmem>>[vector<16xi32>, vector<16xi32>], vector<16xf32>,
      %gather3A_177 = tpu.vector_load_idx %arg13[%add3A_31, %broadcast_in_dim3A_175] : memref<512x64xf32, #tpu.memory_space<vmem>>[vector<16xi32>, vector<16xi32>], vector<16xf32>,
      %mul3A_178 = arith.mulf %gather3A_176, %gather3A_177 : vector<16xf32>
      %add3A_179 = arith.addf %add3A_173, %mul3A_178 : vector<16xf32>
      %broadcast_in_dim3A_180 = arith.constant 24 : i32
      %broadcast_in_dim3A_181 = vector.broadcast %broadcast_in_dim3A_180 : i32 to vector<16xi32>
      %gather3A_182 = tpu.vector_load_idx %arg12[%add3A_31, %broadcast_in_dim3A_181] : memref<512x64xf32, #tpu.memory_space<vmem>>[vector<16xi32>, vector<16xi32>], vector<16xf32>,
      %gather3A_183 = tpu.vector_load_idx %arg13[%add3A_31, %broadcast_in_dim3A_181] : memref<512x64xf32, #tpu.memory_space<vmem>>[vector<16xi32>, vector<16xi32>], vector<16xf32>,
      %mul3A_184 = arith.mulf %gather3A_182, %gather3A_183 : vector<16xf32>
      %add3A_185 = arith.addf %add3A_179, %mul3A_184 : vector<16xf32>
      %broadcast_in_dim3A_186 = arith.constant 25 : i32
      %broadcast_in_dim3A_187 = vector.broadcast %broadcast_in_dim3A_186 : i32 to vector<16xi32>
      %gather3A_188 = tpu.vector_load_idx %arg12[%add3A_31, %broadcast_in_dim3A_187] : memref<512x64xf32, #tpu.memory_space<vmem>>[vector<16xi32>, vector<16xi32>], vector<16xf32>,
      %gather3A_189 = tpu.vector_load_idx %arg13[%add3A_31, %broadcast_in_dim3A_187] : memref<512x64xf32, #tpu.memory_space<vmem>>[vector<16xi32>, vector<16xi32>], vector<16xf32>,
      %mul3A_190 = arith.mulf %gather3A_188, %gather3A_189 : vector<16xf32>
      %add3A_191 = arith.addf %add3A_185, %mul3A_190 : vector<16xf32>
      %broadcast_in_dim3A_192 = arith.constant 26 : i32
      %broadcast_in_dim3A_193 = vector.broadcast %broadcast_in_dim3A_192 : i32 to vector<16xi32>
      %gather3A_194 = tpu.vector_load_idx %arg12[%add3A_31, %broadcast_in_dim3A_193] : memref<512x64xf32, #tpu.memory_space<vmem>>[vector<16xi32>, vector<16xi32>], vector<16xf32>,
      %gather3A_195 = tpu.vector_load_idx %arg13[%add3A_31, %broadcast_in_dim3A_193] : memref<512x64xf32, #tpu.memory_space<vmem>>[vector<16xi32>, vector<16xi32>], vector<16xf32>,
      %mul3A_196 = arith.mulf %gather3A_194, %gather3A_195 : vector<16xf32>
      %add3A_197 = arith.addf %add3A_191, %mul3A_196 : vector<16xf32>
      %broadcast_in_dim3A_198 = arith.constant 27 : i32
      %broadcast_in_dim3A_199 = vector.broadcast %broadcast_in_dim3A_198 : i32 to vector<16xi32>
      %gather3A_200 = tpu.vector_load_idx %arg12[%add3A_31, %broadcast_in_dim3A_199] : memref<512x64xf32, #tpu.memory_space<vmem>>[vector<16xi32>, vector<16xi32>], vector<16xf32>,
      %gather3A_201 = tpu.vector_load_idx %arg13[%add3A_31, %broadcast_in_dim3A_199] : memref<512x64xf32, #tpu.memory_space<vmem>>[vector<16xi32>, vector<16xi32>], vector<16xf32>,
      %mul3A_202 = arith.mulf %gather3A_200, %gather3A_201 : vector<16xf32>
      %add3A_203 = arith.addf %add3A_197, %mul3A_202 : vector<16xf32>
      %broadcast_in_dim3A_204 = arith.constant 28 : i32
      %broadcast_in_dim3A_205 = vector.broadcast %broadcast_in_dim3A_204 : i32 to vector<16xi32>
      %gather3A_206 = tpu.vector_load_idx %arg12[%add3A_31, %broadcast_in_dim3A_205] : memref<512x64xf32, #tpu.memory_space<vmem>>[vector<16xi32>, vector<16xi32>], vector<16xf32>,
      %gather3A_207 = tpu.vector_load_idx %arg13[%add3A_31, %broadcast_in_dim3A_205] : memref<512x64xf32, #tpu.memory_space<vmem>>[vector<16xi32>, vector<16xi32>], vector<16xf32>,
      %mul3A_208 = arith.mulf %gather3A_206, %gather3A_207 : vector<16xf32>
      %add3A_209 = arith.addf %add3A_203, %mul3A_208 : vector<16xf32>
      %broadcast_in_dim3A_210 = arith.constant 29 : i32
      %broadcast_in_dim3A_211 = vector.broadcast %broadcast_in_dim3A_210 : i32 to vector<16xi32>
      %gather3A_212 = tpu.vector_load_idx %arg12[%add3A_31, %broadcast_in_dim3A_211] : memref<512x64xf32, #tpu.memory_space<vmem>>[vector<16xi32>, vector<16xi32>], vector<16xf32>,
      %gather3A_213 = tpu.vector_load_idx %arg13[%add3A_31, %broadcast_in_dim3A_211] : memref<512x64xf32, #tpu.memory_space<vmem>>[vector<16xi32>, vector<16xi32>], vector<16xf32>,
      %mul3A_214 = arith.mulf %gather3A_212, %gather3A_213 : vector<16xf32>
      %add3A_215 = arith.addf %add3A_209, %mul3A_214 : vector<16xf32>
      %broadcast_in_dim3A_216 = arith.constant 30 : i32
      %broadcast_in_dim3A_217 = vector.broadcast %broadcast_in_dim3A_216 : i32 to vector<16xi32>
      %gather3A_218 = tpu.vector_load_idx %arg12[%add3A_31, %broadcast_in_dim3A_217] : memref<512x64xf32, #tpu.memory_space<vmem>>[vector<16xi32>, vector<16xi32>], vector<16xf32>,
      %gather3A_219 = tpu.vector_load_idx %arg13[%add3A_31, %broadcast_in_dim3A_217] : memref<512x64xf32, #tpu.memory_space<vmem>>[vector<16xi32>, vector<16xi32>], vector<16xf32>,
      %mul3A_220 = arith.mulf %gather3A_218, %gather3A_219 : vector<16xf32>
      %add3A_221 = arith.addf %add3A_215, %mul3A_220 : vector<16xf32>
      %broadcast_in_dim3A_222 = arith.constant 31 : i32
      %broadcast_in_dim3A_223 = vector.broadcast %broadcast_in_dim3A_222 : i32 to vector<16xi32>
      %gather3A_224 = tpu.vector_load_idx %arg12[%add3A_31, %broadcast_in_dim3A_223] : memref<512x64xf32, #tpu.memory_space<vmem>>[vector<16xi32>, vector<16xi32>], vector<16xf32>,
      %gather3A_225 = tpu.vector_load_idx %arg13[%add3A_31, %broadcast_in_dim3A_223] : memref<512x64xf32, #tpu.memory_space<vmem>>[vector<16xi32>, vector<16xi32>], vector<16xf32>,
      %mul3A_226 = arith.mulf %gather3A_224, %gather3A_225 : vector<16xf32>
      %add3A_227 = arith.addf %add3A_221, %mul3A_226 : vector<16xf32>
      %broadcast_in_dim3A_228 = arith.constant 32 : i32
      %broadcast_in_dim3A_229 = vector.broadcast %broadcast_in_dim3A_228 : i32 to vector<16xi32>
      %gather3A_230 = tpu.vector_load_idx %arg12[%add3A_31, %broadcast_in_dim3A_229] : memref<512x64xf32, #tpu.memory_space<vmem>>[vector<16xi32>, vector<16xi32>], vector<16xf32>,
      %gather3A_231 = tpu.vector_load_idx %arg13[%add3A_31, %broadcast_in_dim3A_229] : memref<512x64xf32, #tpu.memory_space<vmem>>[vector<16xi32>, vector<16xi32>], vector<16xf32>,
      %mul3A_232 = arith.mulf %gather3A_230, %gather3A_231 : vector<16xf32>
      %add3A_233 = arith.addf %add3A_227, %mul3A_232 : vector<16xf32>
      %broadcast_in_dim3A_234 = arith.constant 33 : i32
      %broadcast_in_dim3A_235 = vector.broadcast %broadcast_in_dim3A_234 : i32 to vector<16xi32>
      %gather3A_236 = tpu.vector_load_idx %arg12[%add3A_31, %broadcast_in_dim3A_235] : memref<512x64xf32, #tpu.memory_space<vmem>>[vector<16xi32>, vector<16xi32>], vector<16xf32>,
      %gather3A_237 = tpu.vector_load_idx %arg13[%add3A_31, %broadcast_in_dim3A_235] : memref<512x64xf32, #tpu.memory_space<vmem>>[vector<16xi32>, vector<16xi32>], vector<16xf32>,
      %mul3A_238 = arith.mulf %gather3A_236, %gather3A_237 : vector<16xf32>
      %add3A_239 = arith.addf %add3A_233, %mul3A_238 : vector<16xf32>
      %broadcast_in_dim3A_240 = arith.constant 34 : i32
      %broadcast_in_dim3A_241 = vector.broadcast %broadcast_in_dim3A_240 : i32 to vector<16xi32>
      %gather3A_242 = tpu.vector_load_idx %arg12[%add3A_31, %broadcast_in_dim3A_241] : memref<512x64xf32, #tpu.memory_space<vmem>>[vector<16xi32>, vector<16xi32>], vector<16xf32>,
      %gather3A_243 = tpu.vector_load_idx %arg13[%add3A_31, %broadcast_in_dim3A_241] : memref<512x64xf32, #tpu.memory_space<vmem>>[vector<16xi32>, vector<16xi32>], vector<16xf32>,
      %mul3A_244 = arith.mulf %gather3A_242, %gather3A_243 : vector<16xf32>
      %add3A_245 = arith.addf %add3A_239, %mul3A_244 : vector<16xf32>
      %broadcast_in_dim3A_246 = arith.constant 35 : i32
      %broadcast_in_dim3A_247 = vector.broadcast %broadcast_in_dim3A_246 : i32 to vector<16xi32>
      %gather3A_248 = tpu.vector_load_idx %arg12[%add3A_31, %broadcast_in_dim3A_247] : memref<512x64xf32, #tpu.memory_space<vmem>>[vector<16xi32>, vector<16xi32>], vector<16xf32>,
      %gather3A_249 = tpu.vector_load_idx %arg13[%add3A_31, %broadcast_in_dim3A_247] : memref<512x64xf32, #tpu.memory_space<vmem>>[vector<16xi32>, vector<16xi32>], vector<16xf32>,
      %mul3A_250 = arith.mulf %gather3A_248, %gather3A_249 : vector<16xf32>
      %add3A_251 = arith.addf %add3A_245, %mul3A_250 : vector<16xf32>
      %broadcast_in_dim3A_252 = arith.constant 36 : i32
      %broadcast_in_dim3A_253 = vector.broadcast %broadcast_in_dim3A_252 : i32 to vector<16xi32>
      %gather3A_254 = tpu.vector_load_idx %arg12[%add3A_31, %broadcast_in_dim3A_253] : memref<512x64xf32, #tpu.memory_space<vmem>>[vector<16xi32>, vector<16xi32>], vector<16xf32>,
      %gather3A_255 = tpu.vector_load_idx %arg13[%add3A_31, %broadcast_in_dim3A_253] : memref<512x64xf32, #tpu.memory_space<vmem>>[vector<16xi32>, vector<16xi32>], vector<16xf32>,
      %mul3A_256 = arith.mulf %gather3A_254, %gather3A_255 : vector<16xf32>
      %add3A_257 = arith.addf %add3A_251, %mul3A_256 : vector<16xf32>
      %broadcast_in_dim3A_258 = arith.constant 37 : i32
      %broadcast_in_dim3A_259 = vector.broadcast %broadcast_in_dim3A_258 : i32 to vector<16xi32>
      %gather3A_260 = tpu.vector_load_idx %arg12[%add3A_31, %broadcast_in_dim3A_259] : memref<512x64xf32, #tpu.memory_space<vmem>>[vector<16xi32>, vector<16xi32>], vector<16xf32>,
      %gather3A_261 = tpu.vector_load_idx %arg13[%add3A_31, %broadcast_in_dim3A_259] : memref<512x64xf32, #tpu.memory_space<vmem>>[vector<16xi32>, vector<16xi32>], vector<16xf32>,
      %mul3A_262 = arith.mulf %gather3A_260, %gather3A_261 : vector<16xf32>
      %add3A_263 = arith.addf %add3A_257, %mul3A_262 : vector<16xf32>
      %broadcast_in_dim3A_264 = arith.constant 38 : i32
      %broadcast_in_dim3A_265 = vector.broadcast %broadcast_in_dim3A_264 : i32 to vector<16xi32>
      %gather3A_266 = tpu.vector_load_idx %arg12[%add3A_31, %broadcast_in_dim3A_265] : memref<512x64xf32, #tpu.memory_space<vmem>>[vector<16xi32>, vector<16xi32>], vector<16xf32>,
      %gather3A_267 = tpu.vector_load_idx %arg13[%add3A_31, %broadcast_in_dim3A_265] : memref<512x64xf32, #tpu.memory_space<vmem>>[vector<16xi32>, vector<16xi32>], vector<16xf32>,
      %mul3A_268 = arith.mulf %gather3A_266, %gather3A_267 : vector<16xf32>
      %add3A_269 = arith.addf %add3A_263, %mul3A_268 : vector<16xf32>
      %broadcast_in_dim3A_270 = arith.constant 39 : i32
      %broadcast_in_dim3A_271 = vector.broadcast %broadcast_in_dim3A_270 : i32 to vector<16xi32>
      %gather3A_272 = tpu.vector_load_idx %arg12[%add3A_31, %broadcast_in_dim3A_271] : memref<512x64xf32, #tpu.memory_space<vmem>>[vector<16xi32>, vector<16xi32>], vector<16xf32>,
      %gather3A_273 = tpu.vector_load_idx %arg13[%add3A_31, %broadcast_in_dim3A_271] : memref<512x64xf32, #tpu.memory_space<vmem>>[vector<16xi32>, vector<16xi32>], vector<16xf32>,
      %mul3A_274 = arith.mulf %gather3A_272, %gather3A_273 : vector<16xf32>
      %add3A_275 = arith.addf %add3A_269, %mul3A_274 : vector<16xf32>
      %broadcast_in_dim3A_276 = arith.constant 40 : i32
      %broadcast_in_dim3A_277 = vector.broadcast %broadcast_in_dim3A_276 : i32 to vector<16xi32>
      %gather3A_278 = tpu.vector_load_idx %arg12[%add3A_31, %broadcast_in_dim3A_277] : memref<512x64xf32, #tpu.memory_space<vmem>>[vector<16xi32>, vector<16xi32>], vector<16xf32>,
      %gather3A_279 = tpu.vector_load_idx %arg13[%add3A_31, %broadcast_in_dim3A_277] : memref<512x64xf32, #tpu.memory_space<vmem>>[vector<16xi32>, vector<16xi32>], vector<16xf32>,
      %mul3A_280 = arith.mulf %gather3A_278, %gather3A_279 : vector<16xf32>
      %add3A_281 = arith.addf %add3A_275, %mul3A_280 : vector<16xf32>
      %broadcast_in_dim3A_282 = arith.constant 41 : i32
      %broadcast_in_dim3A_283 = vector.broadcast %broadcast_in_dim3A_282 : i32 to vector<16xi32>
      %gather3A_284 = tpu.vector_load_idx %arg12[%add3A_31, %broadcast_in_dim3A_283] : memref<512x64xf32, #tpu.memory_space<vmem>>[vector<16xi32>, vector<16xi32>], vector<16xf32>,
      %gather3A_285 = tpu.vector_load_idx %arg13[%add3A_31, %broadcast_in_dim3A_283] : memref<512x64xf32, #tpu.memory_space<vmem>>[vector<16xi32>, vector<16xi32>], vector<16xf32>,
      %mul3A_286 = arith.mulf %gather3A_284, %gather3A_285 : vector<16xf32>
      %add3A_287 = arith.addf %add3A_281, %mul3A_286 : vector<16xf32>
      %broadcast_in_dim3A_288 = arith.constant 42 : i32
      %broadcast_in_dim3A_289 = vector.broadcast %broadcast_in_dim3A_288 : i32 to vector<16xi32>
      %gather3A_290 = tpu.vector_load_idx %arg12[%add3A_31, %broadcast_in_dim3A_289] : memref<512x64xf32, #tpu.memory_space<vmem>>[vector<16xi32>, vector<16xi32>], vector<16xf32>,
      %gather3A_291 = tpu.vector_load_idx %arg13[%add3A_31, %broadcast_in_dim3A_289] : memref<512x64xf32, #tpu.memory_space<vmem>>[vector<16xi32>, vector<16xi32>], vector<16xf32>,
      %mul3A_292 = arith.mulf %gather3A_290, %gather3A_291 : vector<16xf32>
      %add3A_293 = arith.addf %add3A_287, %mul3A_292 : vector<16xf32>
      %broadcast_in_dim3A_294 = arith.constant 43 : i32
      %broadcast_in_dim3A_295 = vector.broadcast %broadcast_in_dim3A_294 : i32 to vector<16xi32>
      %gather3A_296 = tpu.vector_load_idx %arg12[%add3A_31, %broadcast_in_dim3A_295] : memref<512x64xf32, #tpu.memory_space<vmem>>[vector<16xi32>, vector<16xi32>], vector<16xf32>,
      %gather3A_297 = tpu.vector_load_idx %arg13[%add3A_31, %broadcast_in_dim3A_295] : memref<512x64xf32, #tpu.memory_space<vmem>>[vector<16xi32>, vector<16xi32>], vector<16xf32>,
      %mul3A_298 = arith.mulf %gather3A_296, %gather3A_297 : vector<16xf32>
      %add3A_299 = arith.addf %add3A_293, %mul3A_298 : vector<16xf32>
      %broadcast_in_dim3A_300 = arith.constant 44 : i32
      %broadcast_in_dim3A_301 = vector.broadcast %broadcast_in_dim3A_300 : i32 to vector<16xi32>
      %gather3A_302 = tpu.vector_load_idx %arg12[%add3A_31, %broadcast_in_dim3A_301] : memref<512x64xf32, #tpu.memory_space<vmem>>[vector<16xi32>, vector<16xi32>], vector<16xf32>,
      %gather3A_303 = tpu.vector_load_idx %arg13[%add3A_31, %broadcast_in_dim3A_301] : memref<512x64xf32, #tpu.memory_space<vmem>>[vector<16xi32>, vector<16xi32>], vector<16xf32>,
      %mul3A_304 = arith.mulf %gather3A_302, %gather3A_303 : vector<16xf32>
      %add3A_305 = arith.addf %add3A_299, %mul3A_304 : vector<16xf32>
      %broadcast_in_dim3A_306 = arith.constant 45 : i32
      %broadcast_in_dim3A_307 = vector.broadcast %broadcast_in_dim3A_306 : i32 to vector<16xi32>
      %gather3A_308 = tpu.vector_load_idx %arg12[%add3A_31, %broadcast_in_dim3A_307] : memref<512x64xf32, #tpu.memory_space<vmem>>[vector<16xi32>, vector<16xi32>], vector<16xf32>,
      %gather3A_309 = tpu.vector_load_idx %arg13[%add3A_31, %broadcast_in_dim3A_307] : memref<512x64xf32, #tpu.memory_space<vmem>>[vector<16xi32>, vector<16xi32>], vector<16xf32>,
      %mul3A_310 = arith.mulf %gather3A_308, %gather3A_309 : vector<16xf32>
      %add3A_311 = arith.addf %add3A_305, %mul3A_310 : vector<16xf32>
      %broadcast_in_dim3A_312 = arith.constant 46 : i32
      %broadcast_in_dim3A_313 = vector.broadcast %broadcast_in_dim3A_312 : i32 to vector<16xi32>
      %gather3A_314 = tpu.vector_load_idx %arg12[%add3A_31, %broadcast_in_dim3A_313] : memref<512x64xf32, #tpu.memory_space<vmem>>[vector<16xi32>, vector<16xi32>], vector<16xf32>,
      %gather3A_315 = tpu.vector_load_idx %arg13[%add3A_31, %broadcast_in_dim3A_313] : memref<512x64xf32, #tpu.memory_space<vmem>>[vector<16xi32>, vector<16xi32>], vector<16xf32>,
      %mul3A_316 = arith.mulf %gather3A_314, %gather3A_315 : vector<16xf32>
      %add3A_317 = arith.addf %add3A_311, %mul3A_316 : vector<16xf32>
      %broadcast_in_dim3A_318 = arith.constant 47 : i32
      %broadcast_in_dim3A_319 = vector.broadcast %broadcast_in_dim3A_318 : i32 to vector<16xi32>
      %gather3A_320 = tpu.vector_load_idx %arg12[%add3A_31, %broadcast_in_dim3A_319] : memref<512x64xf32, #tpu.memory_space<vmem>>[vector<16xi32>, vector<16xi32>], vector<16xf32>,
      %gather3A_321 = tpu.vector_load_idx %arg13[%add3A_31, %broadcast_in_dim3A_319] : memref<512x64xf32, #tpu.memory_space<vmem>>[vector<16xi32>, vector<16xi32>], vector<16xf32>,
      %mul3A_322 = arith.mulf %gather3A_320, %gather3A_321 : vector<16xf32>
      %add3A_323 = arith.addf %add3A_317, %mul3A_322 : vector<16xf32>
      %broadcast_in_dim3A_324 = arith.constant 48 : i32
      %broadcast_in_dim3A_325 = vector.broadcast %broadcast_in_dim3A_324 : i32 to vector<16xi32>
      %gather3A_326 = tpu.vector_load_idx %arg12[%add3A_31, %broadcast_in_dim3A_325] : memref<512x64xf32, #tpu.memory_space<vmem>>[vector<16xi32>, vector<16xi32>], vector<16xf32>,
      %gather3A_327 = tpu.vector_load_idx %arg13[%add3A_31, %broadcast_in_dim3A_325] : memref<512x64xf32, #tpu.memory_space<vmem>>[vector<16xi32>, vector<16xi32>], vector<16xf32>,
      %mul3A_328 = arith.mulf %gather3A_326, %gather3A_327 : vector<16xf32>
      %add3A_329 = arith.addf %add3A_323, %mul3A_328 : vector<16xf32>
      %broadcast_in_dim3A_330 = arith.constant 49 : i32
      %broadcast_in_dim3A_331 = vector.broadcast %broadcast_in_dim3A_330 : i32 to vector<16xi32>
      %gather3A_332 = tpu.vector_load_idx %arg12[%add3A_31, %broadcast_in_dim3A_331] : memref<512x64xf32, #tpu.memory_space<vmem>>[vector<16xi32>, vector<16xi32>], vector<16xf32>,
      %gather3A_333 = tpu.vector_load_idx %arg13[%add3A_31, %broadcast_in_dim3A_331] : memref<512x64xf32, #tpu.memory_space<vmem>>[vector<16xi32>, vector<16xi32>], vector<16xf32>,
      %mul3A_334 = arith.mulf %gather3A_332, %gather3A_333 : vector<16xf32>
      %add3A_335 = arith.addf %add3A_329, %mul3A_334 : vector<16xf32>
      %broadcast_in_dim3A_336 = arith.constant 50 : i32
      %broadcast_in_dim3A_337 = vector.broadcast %broadcast_in_dim3A_336 : i32 to vector<16xi32>
      %gather3A_338 = tpu.vector_load_idx %arg12[%add3A_31, %broadcast_in_dim3A_337] : memref<512x64xf32, #tpu.memory_space<vmem>>[vector<16xi32>, vector<16xi32>], vector<16xf32>,
      %gather3A_339 = tpu.vector_load_idx %arg13[%add3A_31, %broadcast_in_dim3A_337] : memref<512x64xf32, #tpu.memory_space<vmem>>[vector<16xi32>, vector<16xi32>], vector<16xf32>,
      %mul3A_340 = arith.mulf %gather3A_338, %gather3A_339 : vector<16xf32>
      %add3A_341 = arith.addf %add3A_335, %mul3A_340 : vector<16xf32>
      %broadcast_in_dim3A_342 = arith.constant 51 : i32
      %broadcast_in_dim3A_343 = vector.broadcast %broadcast_in_dim3A_342 : i32 to vector<16xi32>
      %gather3A_344 = tpu.vector_load_idx %arg12[%add3A_31, %broadcast_in_dim3A_343] : memref<512x64xf32, #tpu.memory_space<vmem>>[vector<16xi32>, vector<16xi32>], vector<16xf32>,
      %gather3A_345 = tpu.vector_load_idx %arg13[%add3A_31, %broadcast_in_dim3A_343] : memref<512x64xf32, #tpu.memory_space<vmem>>[vector<16xi32>, vector<16xi32>], vector<16xf32>,
      %mul3A_346 = arith.mulf %gather3A_344, %gather3A_345 : vector<16xf32>
      %add3A_347 = arith.addf %add3A_341, %mul3A_346 : vector<16xf32>
      %broadcast_in_dim3A_348 = arith.constant 52 : i32
      %broadcast_in_dim3A_349 = vector.broadcast %broadcast_in_dim3A_348 : i32 to vector<16xi32>
      %gather3A_350 = tpu.vector_load_idx %arg12[%add3A_31, %broadcast_in_dim3A_349] : memref<512x64xf32, #tpu.memory_space<vmem>>[vector<16xi32>, vector<16xi32>], vector<16xf32>,
      %gather3A_351 = tpu.vector_load_idx %arg13[%add3A_31, %broadcast_in_dim3A_349] : memref<512x64xf32, #tpu.memory_space<vmem>>[vector<16xi32>, vector<16xi32>], vector<16xf32>,
      %mul3A_352 = arith.mulf %gather3A_350, %gather3A_351 : vector<16xf32>
      %add3A_353 = arith.addf %add3A_347, %mul3A_352 : vector<16xf32>
      %broadcast_in_dim3A_354 = arith.constant 53 : i32
      %broadcast_in_dim3A_355 = vector.broadcast %broadcast_in_dim3A_354 : i32 to vector<16xi32>
      %gather3A_356 = tpu.vector_load_idx %arg12[%add3A_31, %broadcast_in_dim3A_355] : memref<512x64xf32, #tpu.memory_space<vmem>>[vector<16xi32>, vector<16xi32>], vector<16xf32>,
      %gather3A_357 = tpu.vector_load_idx %arg13[%add3A_31, %broadcast_in_dim3A_355] : memref<512x64xf32, #tpu.memory_space<vmem>>[vector<16xi32>, vector<16xi32>], vector<16xf32>,
      %mul3A_358 = arith.mulf %gather3A_356, %gather3A_357 : vector<16xf32>
      %add3A_359 = arith.addf %add3A_353, %mul3A_358 : vector<16xf32>
      %broadcast_in_dim3A_360 = arith.constant 54 : i32
      %broadcast_in_dim3A_361 = vector.broadcast %broadcast_in_dim3A_360 : i32 to vector<16xi32>
      %gather3A_362 = tpu.vector_load_idx %arg12[%add3A_31, %broadcast_in_dim3A_361] : memref<512x64xf32, #tpu.memory_space<vmem>>[vector<16xi32>, vector<16xi32>], vector<16xf32>,
      %gather3A_363 = tpu.vector_load_idx %arg13[%add3A_31, %broadcast_in_dim3A_361] : memref<512x64xf32, #tpu.memory_space<vmem>>[vector<16xi32>, vector<16xi32>], vector<16xf32>,
      %mul3A_364 = arith.mulf %gather3A_362, %gather3A_363 : vector<16xf32>
      %add3A_365 = arith.addf %add3A_359, %mul3A_364 : vector<16xf32>
      %broadcast_in_dim3A_366 = arith.constant 55 : i32
      %broadcast_in_dim3A_367 = vector.broadcast %broadcast_in_dim3A_366 : i32 to vector<16xi32>
      %gather3A_368 = tpu.vector_load_idx %arg12[%add3A_31, %broadcast_in_dim3A_367] : memref<512x64xf32, #tpu.memory_space<vmem>>[vector<16xi32>, vector<16xi32>], vector<16xf32>,
      %gather3A_369 = tpu.vector_load_idx %arg13[%add3A_31, %broadcast_in_dim3A_367] : memref<512x64xf32, #tpu.memory_space<vmem>>[vector<16xi32>, vector<16xi32>], vector<16xf32>,
      %mul3A_370 = arith.mulf %gather3A_368, %gather3A_369 : vector<16xf32>
      %add3A_371 = arith.addf %add3A_365, %mul3A_370 : vector<16xf32>
      %broadcast_in_dim3A_372 = arith.constant 56 : i32
      %broadcast_in_dim3A_373 = vector.broadcast %broadcast_in_dim3A_372 : i32 to vector<16xi32>
      %gather3A_374 = tpu.vector_load_idx %arg12[%add3A_31, %broadcast_in_dim3A_373] : memref<512x64xf32, #tpu.memory_space<vmem>>[vector<16xi32>, vector<16xi32>], vector<16xf32>,
      %gather3A_375 = tpu.vector_load_idx %arg13[%add3A_31, %broadcast_in_dim3A_373] : memref<512x64xf32, #tpu.memory_space<vmem>>[vector<16xi32>, vector<16xi32>], vector<16xf32>,
      %mul3A_376 = arith.mulf %gather3A_374, %gather3A_375 : vector<16xf32>
      %add3A_377 = arith.addf %add3A_371, %mul3A_376 : vector<16xf32>
      %broadcast_in_dim3A_378 = arith.constant 57 : i32
      %broadcast_in_dim3A_379 = vector.broadcast %broadcast_in_dim3A_378 : i32 to vector<16xi32>
      %gather3A_380 = tpu.vector_load_idx %arg12[%add3A_31, %broadcast_in_dim3A_379] : memref<512x64xf32, #tpu.memory_space<vmem>>[vector<16xi32>, vector<16xi32>], vector<16xf32>,
      %gather3A_381 = tpu.vector_load_idx %arg13[%add3A_31, %broadcast_in_dim3A_379] : memref<512x64xf32, #tpu.memory_space<vmem>>[vector<16xi32>, vector<16xi32>], vector<16xf32>,
      %mul3A_382 = arith.mulf %gather3A_380, %gather3A_381 : vector<16xf32>
      %add3A_383 = arith.addf %add3A_377, %mul3A_382 : vector<16xf32>
      %broadcast_in_dim3A_384 = arith.constant 58 : i32
      %broadcast_in_dim3A_385 = vector.broadcast %broadcast_in_dim3A_384 : i32 to vector<16xi32>
      %gather3A_386 = tpu.vector_load_idx %arg12[%add3A_31, %broadcast_in_dim3A_385] : memref<512x64xf32, #tpu.memory_space<vmem>>[vector<16xi32>, vector<16xi32>], vector<16xf32>,
      %gather3A_387 = tpu.vector_load_idx %arg13[%add3A_31, %broadcast_in_dim3A_385] : memref<512x64xf32, #tpu.memory_space<vmem>>[vector<16xi32>, vector<16xi32>], vector<16xf32>,
      %mul3A_388 = arith.mulf %gather3A_386, %gather3A_387 : vector<16xf32>
      %add3A_389 = arith.addf %add3A_383, %mul3A_388 : vector<16xf32>
      %broadcast_in_dim3A_390 = arith.constant 59 : i32
      %broadcast_in_dim3A_391 = vector.broadcast %broadcast_in_dim3A_390 : i32 to vector<16xi32>
      %gather3A_392 = tpu.vector_load_idx %arg12[%add3A_31, %broadcast_in_dim3A_391] : memref<512x64xf32, #tpu.memory_space<vmem>>[vector<16xi32>, vector<16xi32>], vector<16xf32>,
      %gather3A_393 = tpu.vector_load_idx %arg13[%add3A_31, %broadcast_in_dim3A_391] : memref<512x64xf32, #tpu.memory_space<vmem>>[vector<16xi32>, vector<16xi32>], vector<16xf32>,
      %mul3A_394 = arith.mulf %gather3A_392, %gather3A_393 : vector<16xf32>
      %add3A_395 = arith.addf %add3A_389, %mul3A_394 : vector<16xf32>
      %broadcast_in_dim3A_396 = arith.constant 60 : i32
      %broadcast_in_dim3A_397 = vector.broadcast %broadcast_in_dim3A_396 : i32 to vector<16xi32>
      %gather3A_398 = tpu.vector_load_idx %arg12[%add3A_31, %broadcast_in_dim3A_397] : memref<512x64xf32, #tpu.memory_space<vmem>>[vector<16xi32>, vector<16xi32>], vector<16xf32>,
      %gather3A_399 = tpu.vector_load_idx %arg13[%add3A_31, %broadcast_in_dim3A_397] : memref<512x64xf32, #tpu.memory_space<vmem>>[vector<16xi32>, vector<16xi32>], vector<16xf32>,
      %mul3A_400 = arith.mulf %gather3A_398, %gather3A_399 : vector<16xf32>
      %add3A_401 = arith.addf %add3A_395, %mul3A_400 : vector<16xf32>
      %broadcast_in_dim3A_402 = arith.constant 61 : i32
      %broadcast_in_dim3A_403 = vector.broadcast %broadcast_in_dim3A_402 : i32 to vector<16xi32>
      %gather3A_404 = tpu.vector_load_idx %arg12[%add3A_31, %broadcast_in_dim3A_403] : memref<512x64xf32, #tpu.memory_space<vmem>>[vector<16xi32>, vector<16xi32>], vector<16xf32>,
      %gather3A_405 = tpu.vector_load_idx %arg13[%add3A_31, %broadcast_in_dim3A_403] : memref<512x64xf32, #tpu.memory_space<vmem>>[vector<16xi32>, vector<16xi32>], vector<16xf32>,
      %mul3A_406 = arith.mulf %gather3A_404, %gather3A_405 : vector<16xf32>
      %add3A_407 = arith.addf %add3A_401, %mul3A_406 : vector<16xf32>
      %broadcast_in_dim3A_408 = arith.constant 62 : i32
      %broadcast_in_dim3A_409 = vector.broadcast %broadcast_in_dim3A_408 : i32 to vector<16xi32>
      %gather3A_410 = tpu.vector_load_idx %arg12[%add3A_31, %broadcast_in_dim3A_409] : memref<512x64xf32, #tpu.memory_space<vmem>>[vector<16xi32>, vector<16xi32>], vector<16xf32>,
      %gather3A_411 = tpu.vector_load_idx %arg13[%add3A_31, %broadcast_in_dim3A_409] : memref<512x64xf32, #tpu.memory_space<vmem>>[vector<16xi32>, vector<16xi32>], vector<16xf32>,
      %mul3A_412 = arith.mulf %gather3A_410, %gather3A_411 : vector<16xf32>
      %add3A_413 = arith.addf %add3A_407, %mul3A_412 : vector<16xf32>
      %broadcast_in_dim3A_414 = arith.constant 63 : i32
      %broadcast_in_dim3A_415 = vector.broadcast %broadcast_in_dim3A_414 : i32 to vector<16xi32>
      %gather3A_416 = tpu.vector_load_idx %arg12[%add3A_31, %broadcast_in_dim3A_415] : memref<512x64xf32, #tpu.memory_space<vmem>>[vector<16xi32>, vector<16xi32>], vector<16xf32>,
      %gather3A_417 = tpu.vector_load_idx %arg13[%add3A_31, %broadcast_in_dim3A_415] : memref<512x64xf32, #tpu.memory_space<vmem>>[vector<16xi32>, vector<16xi32>], vector<16xf32>,
      %mul3A_418 = arith.mulf %gather3A_416, %gather3A_417 : vector<16xf32>
      %add3A_419 = arith.addf %add3A_413, %mul3A_418 : vector<16xf32>
      %swap3A = arith.index_cast %mul3A_29 : i32 to index
      %swap3A_420 = tpu.vector_load %arg17[%swap3A] {strides = array<i32>} : memref<512xf32, #tpu.memory_space<vmem>>, vector<16xf32>,
      tpu.vector_store %arg17[%swap3A], %add3A_419 {strides = array<i32>} : memref<512xf32, #tpu.memory_space<vmem>>, vector<16xf32>,
    }
    %scan3A_26 = arith.constant 32 : i32
    "tpu.region"() ({
      %run_scoped3A = tpu.sem_alloc : memref<!tpu.dma_semaphore, #tpu.memory_space<semaphore_mem>>
      %dma_start3A_27 = tpu.memref_slice %arg9[%mul3A_2] : memref<16384xf32, #tpu.memory_space<hbm>> -> memref<512xf32, #tpu.memory_space<hbm>>
      %dma_start3A_28 = tpu.memref_slice %arg9[%mul3A_2] : memref<16384xf32, #tpu.memory_space<hbm>> -> memref<512xf32, #tpu.memory_space<hbm>>
      tpu.enqueue_dma source(%arg17 : memref<512xf32, #tpu.memory_space<vmem>>) target(%dma_start3A_28 : memref<512xf32, #tpu.memory_space<hbm>>) target_semaphore(%run_scoped3A : memref<!tpu.dma_semaphore, #tpu.memory_space<semaphore_mem>>)
      %dma_wait3A_29 = tpu.memref_slice %arg9[%mul3A_2] : memref<16384xf32, #tpu.memory_space<hbm>> -> memref<512xf32, #tpu.memory_space<hbm>>
      %dma_wait3A_30 = tpu.memref_slice %arg9[%mul3A_2] : memref<16384xf32, #tpu.memory_space<hbm>> -> memref<512xf32, #tpu.memory_space<hbm>>
      tpu.wait_dma2 semaphore(%run_scoped3A : memref<!tpu.dma_semaphore, #tpu.memory_space<semaphore_mem>>) src(%arg17 : memref<512xf32, #tpu.memory_space<vmem>>) dst(%dma_wait3A_30 : memref<512xf32, #tpu.memory_space<hbm>>)
      tpu.yield
    }) : () -> ()
    return
  }
}

</mosaic_0001>

<sc_bundles>
// kernel: kernel.3.cloned.1.call-start
scs
__scs_entry_jumppad:
0x0: {  	(pc) =	sbr.rel $0x88, $3  }
0x1: {  	(tag) =	ssettag $0x0;
	lr =	simm.s32 $0x1  }
0x2: {  	[smem:$0x3F9A] =	sst lr;
	_ =	strace $0xD0000000  }
0x3: {  	_ = 	snop  }
0x4: {  	_ = 	snop  }
0x5: {  	_ = 	snop  }
0x6: {  	_ = 	snop  }
0x7: {  	_ = 	snop  }
__scs_overlays_trampoline_lowered:
0x8: {  	[smem:$0x3FA9] =	sst s0  }
0x9: {  	[smem:$0x3FAA] =	sst s1  }
0xa: {  	[smem:$0x3FAB] =	sst s2  }
0xb: {  	[smem:$0x3FAC] =	sst s3  }
0xc: {  	[smem:$0x3FAD] =	sst s4  }
0xd: {  	[smem:$0x3FAE] =	sst s5  }
0xe: {  	[smem:$0x3FAF] =	sst s6  }
0xf: {  	[smem:$0x3FB0] =	sst s7  }
0x10: {  	[smem:$0x3FB1] =	sst s8  }
0x11: {  	[smem:$0x3FB2] =	sst s9;
	s0 =	simm.s32 @!p0 $0x0  }
0x12: {  	s1 =	sld [smem:$0x3F98];
	s0 =	simm.s32 @p0 $0x1  }
0x13: {  	[smem:$0x3FB3] =	sst s0;
	s0 =	simm.s32 @!p1 $0x0  }
0x14: {  	s2 =	sld [smem:$0x3F97];
	s0 =	simm.s32 @p1 $0x1  }
0x15: {  	[smem:$0x3FB4] =	sst s0;
	s0 =	simm.s32 @!p2 $0x0  }
0x16: {  	s3 =	sld [smem:$0x3FDB];
	s0 =	simm.s32 @p2 $0x1  }
0x17: {  	s4 =	simm.s32 $0x1BF5;
	[smem:$0x3FB6] =	sst s0  }
0x18: {  	s0 =	sld [smem:$0x3F99];
	_ =	swait.ge [sflag:s4], $0x0  }
0x19: {  	s7 =	sld [smem:$0x3F9A]  }
0x1a: {  	s8 =	sadd.s32 $0xFFFFE003, lr  }
0x1b: {  	s9 =	sadd.s32 $0xFFFFFEF7, lr;
	s5 =	simm.s32 $0xFFFFFFFF;
	p2 =	slt.u32 s8, $0xFFFFF086  }
0x1c: {  	p1 =	slt.u32 s9, $0xF7A;
	s5 =	simm.s32 @!p2 $0x0  }
0x1d: {  	s5 =	simm.s32 @p1 $0x1;
	p0 =	seq.s32 s7, s2  }
0x1e: {  	s7 =	smul.u32 @!p0 $0xF7A, s2;
	p2 =	seq.s32 @!p0 s5, $0x0  }
0x1f: {  	s9 =	smul.u32 $0xF7A, s1;
	s8 =	simm.s32 @!p0 $0x1BF5;
	p2 =	por !p2, p0  }
0x20: {  	[sflag:s8] =	ssyncset.s32 @!p0 $0xFFFFF086;
	s6 =	sadd.s32 @!p0 s3, s7;
	s7 =	simm.s32 @!p0 $0x108  }
0x21: {  	s3 =	sadd.s32 s3, s9;
	s6 =	sadd.s32 @!p0 $0x88, s6;
	s7 =	simm.s32 @p2 $0x1082  }
0x22: {  	[simem:s7], [sflag:s8] =	dma.local @!p0 [hbm:s6], $0xF7A  }
0x23: {  	s9 =	sor.u32 $0xD0000000, s2;
	s6 =	simm.s32 $0x108;
	_ =	swait.ge @!p0 [sflag:s8], $0x0  }
0x24: {  	s3 =	sadd.s32 $0x88, s3;
	s6 =	simm.s32 @!p1 $0x1082;
	[sflag:s4] =	ssyncset.s32 $0xFFFFF086  }
0x25: {  	[simem:s6], [sflag:s4] =	dma.local [hbm:s3], $0xF7A  }
0x26: {  	[smem:$0x3F9A] =	sst s1;
	(tag) =	ssettag s2;
	_ =	strace s9  }
0x27: {  	s1 =	sld [smem:$0x3FAA]  }
0x28: {  	s2 =	sld [smem:$0x3FAB]  }
0x29: {  	s4 =	sld [smem:$0x3FAD]  }
0x2a: {  	p0 =	seq.s32 s5, $0x0;
	s5 =	sld [smem:$0x3FAE]  }
0x2b: {  	s6 =	sld [smem:$0x3FAF]  }
0x2c: {  	s7 =	sld [smem:$0x3FB0]  }
0x2d: {  	s3 =	simm.s32 $0x108;
	s8 =	sld [smem:$0x3FB1]  }
0x2e: {  	s3 =	simm.s32 @!p0 $0x1082;
	s9 =	sld [smem:$0x3FB2]  }
0x2f: {  	lr =	sadd.s32 s0, s3;
	s0 =	sld [smem:$0x3FA9]  }
0x30: {  	s3 =	sld [smem:$0x3FAC]  }
0x31: {  	[smem:$0x3FB5] =	sst s10  }
0x32: {  	s10 =	sld [smem:$0x3FB3];
	_ =	sdelay $0x3  }
0x33: {  	p0 =	seq.s32 s10, $0x1;
	s10 =	sld [smem:$0x3FB5];
	_ =	sdelay $0x3  }
0x34: {  	[smem:$0x3FB5] =	sst s10  }
0x35: {  	s10 =	sld [smem:$0x3FB4];
	_ =	sdelay $0x3  }
0x36: {  	p1 =	seq.s32 s10, $0x1;
	s10 =	sld [smem:$0x3FB5];
	_ =	sdelay $0x3  }
0x37: {  	[smem:$0x3FB5] =	sst s10  }
0x38: {  	s10 =	sld [smem:$0x3FB6]  }
0x39: {  	_ = 	snop;
	(pc) =	sbr.ind lr, $3  }
0x3a: {  	_ = 	snop  }
0x3b: {  	_ = 	snop  }
0x3c: {  	p2 =	seq.s32 s10, $0x1;
	s10 =	sld [smem:$0x3FB5]  }
0x3d: {  	_ =	shalt  }
0x3e: {  	_ =	shalt  }
0x3f: {  	_ =	shalt  }
0x40: {  	_ =	shalt  }
0x41: {  	_ =	shalt  }
0x42: {  	_ =	shalt  }
0x43: {  	_ =	shalt  }
0x44: {  	_ =	shalt  }
0x45: {  	_ =	shalt  }
0x46: {  	_ =	shalt  }
0x47: {  	_ =	shalt  }
0x48: {  	_ =	shalt  }
0x49: {  	_ =	shalt  }
0x4a: {  	_ =	shalt  }
0x4b: {  	_ =	shalt  }
0x4c: {  	_ =	shalt  }
0x4d: {  	_ =	shalt  }
0x4e: {  	_ =	shalt  }
0x4f: {  	_ =	shalt  }
0x50: {  	_ =	shalt  }
0x51: {  	_ =	shalt  }
0x52: {  	_ =	shalt  }
0x53: {  	_ =	shalt  }
0x54: {  	_ =	shalt  }
0x55: {  	_ =	shalt  }
0x56: {  	_ =	shalt  }
0x57: {  	_ =	shalt  }
0x58: {  	_ =	shalt  }
0x59: {  	_ =	shalt  }
0x5a: {  	_ =	shalt  }
0x5b: {  	_ =	shalt  }
0x5c: {  	_ =	shalt  }
0x5d: {  	_ =	shalt  }
0x5e: {  	_ =	shalt  }
0x5f: {  	_ =	shalt  }
0x60: {  	_ =	shalt  }
0x61: {  	_ =	shalt  }
0x62: {  	_ =	shalt  }
0x63: {  	_ =	shalt  }
0x64: {  	_ =	shalt  }
0x65: {  	_ =	shalt  }
0x66: {  	_ =	shalt  }
0x67: {  	_ =	shalt  }
0x68: {  	_ =	shalt  }
0x69: {  	_ =	shalt  }
0x6a: {  	_ =	shalt  }
0x6b: {  	_ =	shalt  }
0x6c: {  	_ =	shalt  }
0x6d: {  	_ =	shalt  }
0x6e: {  	_ =	shalt  }
0x6f: {  	_ =	shalt  }
0x70: {  	_ =	shalt  }
0x71: {  	_ =	shalt  }
0x72: {  	_ =	shalt  }
0x73: {  	_ =	shalt  }
0x74: {  	_ =	shalt  }
0x75: {  	_ =	shalt  }
0x76: {  	_ =	shalt  }
0x77: {  	_ =	shalt  }
0x78: {  	_ =	shalt  }
0x79: {  	_ =	shalt  }
0x7a: {  	_ =	shalt  }
0x7b: {  	_ =	shalt  }
0x7c: {  	_ =	shalt  }
0x7d: {  	_ =	shalt  }
0x7e: {  	_ =	shalt  }
0x7f: {  	_ =	shalt  }
0x80: {  	_ =	shalt  }
0x81: {  	_ =	shalt  }
0x82: {  	_ =	shalt  }
0x83: {  	_ =	shalt  }
0x84: {  	_ =	shalt  }
0x85: {  	_ =	shalt  }
0x86: {  	_ =	shalt  }
0x87: {  	_ =	shalt  }
.Lfunc_end0:
.L_simem_size_0:
called_computation_lowered:
.L_overlay_start_0:
0x88: {  	s2 =	sld [smem:$0x3FD9]  }
0x89: {  	s3 =	sld [smem:$0x3FFE];
	_ =	sdelay $0x1  }
0x8a: {  	s1 =	srdreg.scid  }
0x8b: {  	s0 =	sand.u32 $0x1, s1  }
0x8c: {  	s17 =	sshll.u32 s0, $0xA;
	s2 =	sadd.s32 s3, s2  }
0x8d: {  	s2 =	sadd.s32 s2, s17  }
0x8e: {  	[smem:$0x3FC1] =	sst s2  }
0x8f: {  	_ = 	snop  }
0x90: {  	s2 =	sld [smem:$0x3FC9]  }
0x91: {  	s18 =	sld [smem:$0x3FC8]  }
0x92: {  	s4 =	sld [smem:$0x3FD0];
	(tm) =	ssettm $0x1  }
0x93: {  	s5 =	sld [smem:$0x3FFB];
	_ =	sdelay $0x3  }
0x94: {  	_ =	strace s5  }
0x95: {  	s5 =	sld [smem:$0x3FFC];
	_ =	sdelay $0x3  }
0x96: {  	_ =	strace s5  }
0x97: {  	s5 =	sld [smem:$0x3FFD];
	_ =	sdelay $0x3  }
0x98: {  	_ =	strace s5  }
0x99: {  	_ =	strace $0x8FFFFFFF  }
0x9a: {  	s19 =	sld [smem:$0x3FDB];
	_ =	sdelay $0x1  }
0x9b: {  	s6 =	simm.s32 $_scs_section_size  }
0x9c: {  	s7 =	simm.s32 $_size__tile_overlayer_lowered;
	s8 =	simm.s32 $_tile_overlayer_lowered  }
0x9d: {  	s22 =	simm.s32 $0x1BFF;
	s21 =	sshll.u32 s8, $0x1;
	s5 =	sadd.s32 s6, s19  }
0x9e: {  	s9 =	simm.s32 $0x0;
	s20 =	sshll.u32 s7, $0x1;
	s7 =	sadd.s32 s21, s5  }
0x9f: {  	[timem:s9], [sflag:s22] =	dma.local [hbm:s7], s20  }
0xa0: {  	_ =	swait.ge [sflag:s22], s20  }
0xa1: {  	s6 =	ssub.s32 $0x0, s20;
	[sflag:s22] =	ssyncset.done $0x0  }
0xa2: {  	[sflag:s22] =	ssyncadd.s32 s6;
	_ =	sdelay $0x1  }
0xa3: {  	s23 =	simm.s32 $0x1B8B  }
0xa4: {  	_ =	swait.ge [sflag:s23], $0x1  }
0xa5: {  	[sflag:s23] =	ssyncset.done $0x0  }
0xa6: {  	s25 =	simm.s32 $0x1B8E;
	s24 =	sld [smem:$0x3FFE];
	[sflag:s23] =	ssyncadd.s32 $0xFFFFFFFF  }
0xa7: {  	s26 =	simm.s32 $execute0_lowered;
	[smem:$0x3FD2] =	sst s25  }
0xa8: {  	s7 =	sshll.u32 s26, $0x1;
	_ =	strace $0x80000046;
	[dreg:$0x1] =	wrdreg $0xFFFFFFFF  }
0xa9: {  	s28 =	simm.s32 $_size_execute0_lowered;
	s5 =	sadd.s32 s5, s7;
	[dreg:$0x0] =	wrdreg $0x0  }
0xaa: {  	s7 =	sshll.u32 s28, $0x1;
	[dreg:$0x2] =	wrdreg s5  }
0xab: {  	[dreg:$0x3] =	wrdreg s7  }
0xac: {  	[dreg:$0x4] =	wrdreg $0xC0  }
0xad: {  	_ =	task [dreg:s9], $0x5FFFF  }
0xae: {  	[dreg:$0x1] =	wrdreg $0xFFFFFFFF  }
0xaf: {  	[dreg:$0x0] =	wrdreg $0x60  }
0xb0: {  	[dreg:$0x2] =	wrdreg s2  }
0xb1: {  	[dreg:$0x3] =	wrdreg s18  }
0xb2: {  	[dreg:$0x4] =	wrdreg s24  }
0xb3: {  	[dreg:$0x5] =	wrdreg s4  }
0xb4: {  	[dreg:$0x6] =	wrdreg $0x9  }
0xb5: {  	_ =	task.clear_ibuf [dreg:s9], $0x7FFFF;
	_ =	strace $0x90000046  }
0xb6: {  	s29 =	simm.s32 $0x9;
	_ =	strace $0x80000048  }
0xb7: {  	_ =	swait.ge [sflag:s29], $0x1  }
0xb8: {  	[sflag:s29] =	ssyncadd.s32 $0xFFFFFFFF  }
0xb9: {  	_ =	strace $0x90000048  }
0xba: {  	_ =	sfence  }
0xbb: {  	s30 =	sld [smem:$0x0];
	_ =	sdelay $0x2  }
0xbc: {  	s31 =	sshll.u32 s1, $0xD;
	s1 =	sshrl.u32 s1, $0x2  }
0xbd: {  	s3 =	sand.u32 $0x4000, s31;
	s1 =	sadd.s32 s1, s30  }
0xbe: {  	s0 =	sor.u32 s3, s0;
	s1 =	sshll.u32 s1, $0x11  }
0xbf: {  	s0 =	sor.u32 s1, s0  }
0xc0: {  	s0 =	sadd.s32 $0x8F2B, s0  }
0xc1: {  	[sflag:s0] =	ssyncadd.remote.s32 $0x1  }
0xc2: {  	_ =	sfence.sel $0xFFFF  }
0xc3: {  	[dreg:$0x0] =	wrdreg $0xFFFFFFFF;
	(pc) =	sbr.abs _section_cstart, $3  }
0xc4: {  	[dreg:$0x1] =	wrdreg $0xFFFFFFFF  }
0xc5: {  	_ =	task.clear_ibuf [dreg:s9], $0x2FFFF;
	_ =	strace $0x9FFFFFFF  }
0xc6: {  	(tm) =	ssettm $0x7FFFFFFF  }
0xc7: {  	_ =	shalt  }
tec
execute0_lowered:
.L_overlay_start_1:
0x0: {  	(tag) =	ssettag $0x1  }
0x1: {  	s8 =	rddreg [dreg:$0x0]  }
0x2: {  	s9 =	rddreg [dreg:$0x1]  }
0x3: {  	s1 =	rddreg [dreg:$0x2]  }
0x4: {  	s10 =	rddreg [dreg:$0x3]  }
0x5: {  	s0 =	rddreg [dreg:$0x4];
	s2 =	simm.s32 $0x0  }
0x6: {  	s3 =	srdreg.scid;
	s15 =	simm.s32 $0x400;
	s16 =	simm.s32 $0x8400  }
0x7: {  	s17 =	simm.s32 $0x1;
	s18 =	simm.s32 $0x2;
	s19 =	simm.s32 $0x3  }
0x8: {  	s20 =	simm.s32 $0x4;
	s21 =	simm.s32 $0x10810;
	[smem:$0x7FF] =	sst s2  }
0x9: {  	s22 =	simm.s32 $0x0;
	s4 =	sadd.s32 $0x16E3600, s1;
	s5 =	sadd.s32 $0xF42400, s1  }
0xa: {  	s7 =	sand.u32 $0x1, s3;
	s6 =	sadd.s32 $0x1EA00, s1;
	s3 =	stileid.u32  }
0xb: {  	_ =	strace $0x80000047;
	s11 =	ssub.s32 $0x2, s7;
	s13 =	sshll.u32 s3, $0x7  }
0xc: {  	s14 =	sshll.u32 s7, $0x6;
	s7 =	sadd.s32 $0x3D400, s1;
	s12 =	sshrl.u32 s11, $0x1  }
0xd: {  	s31 =	sor.u32 s14, s13;
	s13 =	simm.s32 $0x200;
	s14 =	simm.s32 $0x10800  }
0xe: {  	v0 =	vlaneseq.u32;
	s11 =	ssub.s32 s11, s12;
	s8 =	sadd.s32 s8, s31;
	s9 =	sadd.s32 s9, s31  }
0xf: {  	v0 =	vmul.u32 $0x40, v0;
	s10 =	sadd.s32 s10, s31;
	s12 =	simm.s32 $0x5;
	s11 =	smax.u32 s11, $0x1  }
.LBB2_1:
0x10: {  	[tilespmem:s2], [sflag:$0x5] =	stream.linear.gather [hbm4b:s8+s2], $0x200, $0x38;
	[tilespmem:$0x10A10] =	vst v63  }
0x11: {  	_ =	swait.ge [sflag:s12], $0x200  }
0x12: {  	[sflag:s12] =	ssyncset.done $0x0  }
0x13: {  	[sflag:s12] =	ssyncadd.s32 $0xFFFFFE00  }
0x14: {  	[tilespmem:s13], [sflag:$0x5] =	stream.linear.gather [hbm4b:s9+s2], $0x200, $0x38;
	[tilespmem:$0x10A10] =	vst v63  }
0x15: {  	_ =	swait.ge [sflag:s12], $0x200  }
0x16: {  	[sflag:s12] =	ssyncset.done $0x0  }
0x17: {  	[sflag:s12] =	ssyncadd.s32 $0xFFFFFE00  }
0x18: {  	[tilespmem:s14], [sflag:$0x5] =	stream.linear.gather [hbm4b:s7+s2], $0x10, $0x38;
	[tilespmem:$0x10A10] =	vst v63  }
0x19: {  	_ =	swait.ge [sflag:s12], $0x10  }
0x1a: {  	[sflag:s12] =	ssyncset.done $0x0  }
0x1b: {  	[sflag:s12] =	ssyncadd.s32 $0xFFFFFFF0  }
0x1c: {  	[tilespmem:s15], [sflag:$0x1] =	stream.indirect.gather [hbm4b:s4+s13], $0x40, s2, s13, $0xb8;
	[tilespmem:$0x10A10] =	vst v63  }
0x1d: {  	_ = 	snop  }
0x1e: {  	[tilespmem:s16], [sflag:$0x2] =	stream.indirect.gather [hbm4b:s5+s13], $0x40, s13, s13, $0xb8;
	[tilespmem:$0x10A10] =	vst v63  }
0x1f: {  	s23 =	simm.s32 $0x10400  }
0x20: {  	[tilespmem:s23], [sflag:$0x3] =	stream.indirect.gather [hbm4b:s6+s13], $0x1, s2, s13, $0xb8;
	[tilespmem:$0x10A10] =	vst v63  }
0x21: {  	s24 =	simm.s32 $0x10600  }
0x22: {  	[tilespmem:s24], [sflag:$0x4] =	stream.indirect.gather [hbm4b:s1+s13], $0x1, s13, s13, $0xb8;
	[tilespmem:$0x10A10] =	vst v63  }
0x23: {  	_ =	swait.ge [sflag:s17], $0x8000  }
0x24: {  	[sflag:s17] =	ssyncset.done $0x0  }
0x25: {  	[sflag:s17] =	ssyncadd.s32 $0xFFFF8000  }
0x26: {  	_ =	swait.ge [sflag:s18], $0x8000  }
0x27: {  	[sflag:s18] =	ssyncset.done $0x0  }
0x28: {  	[sflag:s18] =	ssyncadd.s32 $0xFFFF8000  }
0x29: {  	_ =	swait.ge [sflag:s19], $0x200  }
0x2a: {  	[sflag:s19] =	ssyncset.done $0x0  }
0x2b: {  	v1 =	vmov s2;
	[sflag:s19] =	ssyncadd.s32 $0xFFFFFE00  }
0x2c: {  	v1 =	vshll.u32 v1, $0x6;
	_ =	swait.ge [sflag:s20], $0x200  }
0x2d: {  	v2 =	vor.u32 v0, v1;
	[sflag:s20] =	ssyncset.done $0x0  }
0x2e: {  	[sflag:s20] =	ssyncadd.s32 $0xFFFFFE00  }
0x2f: {  	v3 =	vor.u32 $0x1, v2;
	v1 =	vld [tilespmem:$0x10800]  }
0x30: {  	v4 =	vld [tilespmem:s24+$0x0]  }
0x31: {  	v5 =	vor.u32 $0x2, v2;
	v6 =	vld [tilespmem:s23+$0x0]  }
0x32: {  	v7 =	vld.idx.msk [tilespmem:v2+s15+$0x0], $0xffff  }
0x33: {  	v9 =	vor.u32 $0x3, v2;
	v8 =	vld.idx.msk [tilespmem:v2+s16+$0x0], $0xffff  }
0x34: {  	v10 =	vld.idx.msk [tilespmem:v3+s15+$0x0], $0xffff  }
0x35: {  	v11 =	vor.u32 $0x4, v2;
	v3 =	vld.idx.msk [tilespmem:v3+s16+$0x0], $0xffff  }
0x36: {  	v12 =	vld.idx.msk [tilespmem:v5+s15+$0x0], $0xffff;
	v4 =	vadd.f32 v4, v6  }
0x37: {  	v5 =	vld.idx.msk [tilespmem:v5+s16+$0x0], $0xffff;
	v6 =	vor.u32 $0x5, v2  }
0x38: {  	v13 =	vld.idx.msk [tilespmem:v9+s15+$0x0], $0xffff;
	v7 =	vmul.f32 v8, v7;
	v4 =	vadd.f32 v4, v1  }
0x39: {  	v17 =	vor.u32 $0x6, v2;
	v16 =	vld.idx.msk [tilespmem:v9+s16+$0x0], $0xffff  }
0x3a: {  	v14 =	vld.idx.msk [tilespmem:v11+s15+$0x0], $0xffff;
	v3 =	vmul.f32 v3, v10;
	v4 =	vadd.f32 v7, v4  }
0x3b: {  	v18 =	vor.u32 $0x7, v2;
	v7 =	vld.idx.msk [tilespmem:v11+s16+$0x0], $0xffff  }
0x3c: {  	v19 =	vld.idx.msk [tilespmem:v6+s15+$0x0], $0xffff;
	v3 =	vadd.f32 v3, v4;
	v4 =	vmul.f32 v5, v12  }
0x3d: {  	v5 =	vld.idx.msk [tilespmem:v6+s16+$0x0], $0xffff;
	v6 =	vor.u32 $0x8, v2  }
0x3e: {  	v20 =	vld.idx.msk [tilespmem:v17+s15+$0x0], $0xffff;
	v3 =	vadd.f32 v4, v3;
	v4 =	vmul.f32 v16, v13  }
0x3f: {  	v22 =	vor.u32 $0x9, v2;
	v21 =	vld.idx.msk [tilespmem:v17+s16+$0x0], $0xffff  }
0x40: {  	v23 =	vld.idx.msk [tilespmem:v18+s15+$0x0], $0xffff;
	v3 =	vadd.f32 v4, v3;
	v4 =	vmul.f32 v7, v14  }
0x41: {  	v24 =	vor.u32 $0xA, v2;
	v7 =	vld.idx.msk [tilespmem:v18+s16+$0x0], $0xffff  }
0x42: {  	v25 =	vld.idx.msk [tilespmem:v6+s15+$0x0], $0xffff;
	v3 =	vadd.f32 v4, v3;
	v4 =	vmul.f32 v5, v19  }
0x43: {  	v5 =	vld.idx.msk [tilespmem:v6+s16+$0x0], $0xffff;
	v6 =	vor.u32 $0xB, v2  }
0x44: {  	v26 =	vld.idx.msk [tilespmem:v22+s15+$0x0], $0xffff;
	v3 =	vadd.f32 v4, v3;
	v4 =	vmul.f32 v21, v20  }
0x45: {  	v28 =	vor.u32 $0xC, v2;
	v27 =	vld.idx.msk [tilespmem:v22+s16+$0x0], $0xffff  }
0x46: {  	v29 =	vld.idx.msk [tilespmem:v24+s15+$0x0], $0xffff;
	v3 =	vadd.f32 v4, v3;
	v4 =	vmul.f32 v7, v23  }
0x47: {  	v30 =	vor.u32 $0xD, v2;
	v7 =	vld.idx.msk [tilespmem:v24+s16+$0x0], $0xffff  }
0x48: {  	v31 =	vld.idx.msk [tilespmem:v6+s15+$0x0], $0xffff;
	v3 =	vadd.f32 v4, v3;
	v4 =	vmul.f32 v5, v25  }
0x49: {  	v5 =	vld.idx.msk [tilespmem:v6+s16+$0x0], $0xffff;
	v6 =	vor.u32 $0xE, v2  }
0x4a: {  	v32 =	vld.idx.msk [tilespmem:v28+s15+$0x0], $0xffff;
	v3 =	vadd.f32 v4, v3;
	v4 =	vmul.f32 v27, v26  }
0x4b: {  	v34 =	vor.u32 $0xF, v2;
	v33 =	vld.idx.msk [tilespmem:v28+s16+$0x0], $0xffff  }
0x4c: {  	v35 =	vld.idx.msk [tilespmem:v30+s15+$0x0], $0xffff;
	v3 =	vadd.f32 v4, v3;
	v4 =	vmul.f32 v7, v29  }
0x4d: {  	v36 =	vor.u32 $0x10, v2;
	v7 =	vld.idx.msk [tilespmem:v30+s16+$0x0], $0xffff  }
0x4e: {  	v37 =	vld.idx.msk [tilespmem:v6+s15+$0x0], $0xffff;
	v3 =	vadd.f32 v4, v3;
	v4 =	vmul.f32 v5, v31  }
0x4f: {  	v5 =	vld.idx.msk [tilespmem:v6+s16+$0x0], $0xffff;
	v6 =	vor.u32 $0x11, v2  }
0x50: {  	v38 =	vld.idx.msk [tilespmem:v34+s15+$0x0], $0xffff;
	v3 =	vadd.f32 v4, v3;
	v4 =	vmul.f32 v33, v32  }
0x51: {  	v40 =	vor.u32 $0x12, v2;
	v39 =	vld.idx.msk [tilespmem:v34+s16+$0x0], $0xffff  }
0x52: {  	v41 =	vld.idx.msk [tilespmem:v36+s15+$0x0], $0xffff;
	v3 =	vadd.f32 v4, v3;
	v4 =	vmul.f32 v7, v35  }
0x53: {  	v42 =	vor.u32 $0x13, v2;
	v7 =	vld.idx.msk [tilespmem:v36+s16+$0x0], $0xffff  }
0x54: {  	v43 =	vld.idx.msk [tilespmem:v6+s15+$0x0], $0xffff;
	v3 =	vadd.f32 v4, v3;
	v4 =	vmul.f32 v5, v37  }
0x55: {  	v5 =	vld.idx.msk [tilespmem:v6+s16+$0x0], $0xffff;
	v6 =	vor.u32 $0x14, v2  }
0x56: {  	v44 =	vld.idx.msk [tilespmem:v40+s15+$0x0], $0xffff;
	v3 =	vadd.f32 v4, v3;
	v4 =	vmul.f32 v39, v38  }
0x57: {  	v46 =	vor.u32 $0x15, v2;
	v45 =	vld.idx.msk [tilespmem:v40+s16+$0x0], $0xffff  }
0x58: {  	v47 =	vld.idx.msk [tilespmem:v42+s15+$0x0], $0xffff;
	v3 =	vadd.f32 v4, v3;
	v4 =	vmul.f32 v7, v41  }
0x59: {  	v48 =	vor.u32 $0x16, v2;
	v7 =	vld.idx.msk [tilespmem:v42+s16+$0x0], $0xffff  }
0x5a: {  	v49 =	vld.idx.msk [tilespmem:v6+s15+$0x0], $0xffff;
	v3 =	vadd.f32 v4, v3;
	v4 =	vmul.f32 v5, v43  }
0x5b: {  	v5 =	vld.idx.msk [tilespmem:v6+s16+$0x0], $0xffff;
	v6 =	vor.u32 $0x17, v2  }
0x5c: {  	v50 =	vld.idx.msk [tilespmem:v46+s15+$0x0], $0xffff;
	v3 =	vadd.f32 v4, v3;
	v4 =	vmul.f32 v45, v44  }
0x5d: {  	v52 =	vor.u32 $0x18, v2;
	v51 =	vld.idx.msk [tilespmem:v46+s16+$0x0], $0xffff  }
0x5e: {  	v53 =	vld.idx.msk [tilespmem:v48+s15+$0x0], $0xffff;
	v3 =	vadd.f32 v4, v3;
	v4 =	vmul.f32 v7, v47  }
0x5f: {  	v54 =	vor.u32 $0x19, v2;
	v7 =	vld.idx.msk [tilespmem:v48+s16+$0x0], $0xffff  }
0x60: {  	v55 =	vld.idx.msk [tilespmem:v6+s15+$0x0], $0xffff;
	v3 =	vadd.f32 v4, v3;
	v4 =	vmul.f32 v5, v49  }
0x61: {  	v5 =	vld.idx.msk [tilespmem:v6+s16+$0x0], $0xffff;
	v6 =	vor.u32 $0x1A, v2  }
0x62: {  	v56 =	vld.idx.msk [tilespmem:v52+s15+$0x0], $0xffff;
	v3 =	vadd.f32 v4, v3;
	v4 =	vmul.f32 v51, v50  }
0x63: {  	v58 =	vor.u32 $0x1B, v2;
	v57 =	vld.idx.msk [tilespmem:v52+s16+$0x0], $0xffff  }
0x64: {  	v59 =	vld.idx.msk [tilespmem:v54+s15+$0x0], $0xffff;
	v3 =	vadd.f32 v4, v3;
	v4 =	vmul.f32 v7, v53  }
0x65: {  	v60 =	vor.u32 $0x1C, v2;
	v7 =	vld.idx.msk [tilespmem:v54+s16+$0x0], $0xffff  }
0x66: {  	v61 =	vld.idx.msk [tilespmem:v6+s15+$0x0], $0xffff;
	v3 =	vadd.f32 v4, v3;
	v4 =	vmul.f32 v5, v55  }
0x67: {  	v5 =	vld.idx.msk [tilespmem:v6+s16+$0x0], $0xffff;
	v6 =	vor.u32 $0x1D, v2  }
0x68: {  	v62 =	vld.idx.msk [tilespmem:v58+s15+$0x0], $0xffff;
	v3 =	vadd.f32 v4, v3;
	v4 =	vmul.f32 v57, v56  }
0x69: {  	v63 =	vld.idx.msk [tilespmem:v58+s16+$0x0], $0xffff;
	v16 =	vor.u32 $0x1E, v2  }
0x6a: {  	v17 =	vld.idx.msk [tilespmem:v60+s15+$0x0], $0xffff;
	v3 =	vadd.f32 v4, v3;
	v4 =	vmul.f32 v7, v59  }
0x6b: {  	v18 =	vor.u32 $0x1F, v2;
	v7 =	vld.idx.msk [tilespmem:v60+s16+$0x0], $0xffff  }
0x6c: {  	v19 =	vld.idx.msk [tilespmem:v6+s15+$0x0], $0xffff;
	v3 =	vadd.f32 v4, v3;
	v4 =	vmul.f32 v5, v61  }
0x6d: {  	v5 =	vld.idx.msk [tilespmem:v6+s16+$0x0], $0xffff;
	v6 =	vor.u32 $0x20, v2  }
0x6e: {  	v20 =	vld.idx.msk [tilespmem:v16+s15+$0x0], $0xffff;
	v3 =	vadd.f32 v4, v3;
	v4 =	vmul.f32 v63, v62  }
0x6f: {  	v22 =	vor.u32 $0x21, v2;
	v21 =	vld.idx.msk [tilespmem:v16+s16+$0x0], $0xffff  }
0x70: {  	v23 =	vld.idx.msk [tilespmem:v18+s15+$0x0], $0xffff;
	v3 =	vadd.f32 v4, v3;
	v4 =	vmul.f32 v7, v17  }
0x71: {  	v24 =	vor.u32 $0x22, v2;
	v7 =	vld.idx.msk [tilespmem:v18+s16+$0x0], $0xffff  }
0x72: {  	v25 =	vld.idx.msk [tilespmem:v6+s15+$0x0], $0xffff;
	v3 =	vadd.f32 v4, v3;
	v4 =	vmul.f32 v5, v19  }
0x73: {  	v5 =	vld.idx.msk [tilespmem:v6+s16+$0x0], $0xffff;
	v6 =	vor.u32 $0x23, v2  }
0x74: {  	v26 =	vld.idx.msk [tilespmem:v22+s15+$0x0], $0xffff;
	v3 =	vadd.f32 v4, v3;
	v4 =	vmul.f32 v21, v20  }
0x75: {  	v28 =	vor.u32 $0x24, v2;
	v27 =	vld.idx.msk [tilespmem:v22+s16+$0x0], $0xffff  }
0x76: {  	v29 =	vld.idx.msk [tilespmem:v24+s15+$0x0], $0xffff;
	v3 =	vadd.f32 v4, v3;
	v4 =	vmul.f32 v7, v23  }
0x77: {  	v30 =	vor.u32 $0x25, v2;
	v7 =	vld.idx.msk [tilespmem:v24+s16+$0x0], $0xffff  }
0x78: {  	v31 =	vld.idx.msk [tilespmem:v6+s15+$0x0], $0xffff;
	v3 =	vadd.f32 v4, v3;
	v4 =	vmul.f32 v5, v25  }
0x79: {  	v5 =	vld.idx.msk [tilespmem:v6+s16+$0x0], $0xffff;
	v6 =	vor.u32 $0x26, v2  }
0x7a: {  	v32 =	vld.idx.msk [tilespmem:v28+s15+$0x0], $0xffff;
	v3 =	vadd.f32 v4, v3;
	v4 =	vmul.f32 v27, v26  }
0x7b: {  	v34 =	vor.u32 $0x27, v2;
	v33 =	vld.idx.msk [tilespmem:v28+s16+$0x0], $0xffff  }
0x7c: {  	v35 =	vld.idx.msk [tilespmem:v30+s15+$0x0], $0xffff;
	v3 =	vadd.f32 v4, v3;
	v4 =	vmul.f32 v7, v29  }
0x7d: {  	v36 =	vor.u32 $0x28, v2;
	v7 =	vld.idx.msk [tilespmem:v30+s16+$0x0], $0xffff  }
0x7e: {  	v37 =	vld.idx.msk [tilespmem:v6+s15+$0x0], $0xffff;
	v3 =	vadd.f32 v4, v3;
	v4 =	vmul.f32 v5, v31  }
0x7f: {  	v5 =	vld.idx.msk [tilespmem:v6+s16+$0x0], $0xffff;
	v6 =	vor.u32 $0x29, v2  }
0x80: {  	v38 =	vld.idx.msk [tilespmem:v34+s15+$0x0], $0xffff;
	v3 =	vadd.f32 v4, v3;
	v4 =	vmul.f32 v33, v32  }
0x81: {  	v40 =	vor.u32 $0x2A, v2;
	v39 =	vld.idx.msk [tilespmem:v34+s16+$0x0], $0xffff  }
0x82: {  	v41 =	vld.idx.msk [tilespmem:v36+s15+$0x0], $0xffff;
	v3 =	vadd.f32 v4, v3;
	v4 =	vmul.f32 v7, v35  }
0x83: {  	v42 =	vor.u32 $0x2B, v2;
	v7 =	vld.idx.msk [tilespmem:v36+s16+$0x0], $0xffff  }
0x84: {  	v43 =	vld.idx.msk [tilespmem:v6+s15+$0x0], $0xffff;
	v3 =	vadd.f32 v4, v3;
	v4 =	vmul.f32 v5, v37  }
0x85: {  	v5 =	vld.idx.msk [tilespmem:v6+s16+$0x0], $0xffff;
	v6 =	vor.u32 $0x2C, v2  }
0x86: {  	v44 =	vld.idx.msk [tilespmem:v40+s15+$0x0], $0xffff;
	v3 =	vadd.f32 v4, v3;
	v4 =	vmul.f32 v39, v38  }
0x87: {  	v46 =	vor.u32 $0x2D, v2;
	v45 =	vld.idx.msk [tilespmem:v40+s16+$0x0], $0xffff  }
0x88: {  	v47 =	vld.idx.msk [tilespmem:v42+s15+$0x0], $0xffff;
	v3 =	vadd.f32 v4, v3;
	v4 =	vmul.f32 v7, v41  }
0x89: {  	v48 =	vor.u32 $0x2E, v2;
	v7 =	vld.idx.msk [tilespmem:v42+s16+$0x0], $0xffff  }
0x8a: {  	v49 =	vld.idx.msk [tilespmem:v6+s15+$0x0], $0xffff;
	v3 =	vadd.f32 v4, v3;
	v4 =	vmul.f32 v5, v43  }
0x8b: {  	v5 =	vld.idx.msk [tilespmem:v6+s16+$0x0], $0xffff;
	v6 =	vor.u32 $0x2F, v2  }
0x8c: {  	v50 =	vld.idx.msk [tilespmem:v46+s15+$0x0], $0xffff;
	v3 =	vadd.f32 v4, v3;
	v4 =	vmul.f32 v45, v44  }
0x8d: {  	v52 =	vor.u32 $0x30, v2;
	v51 =	vld.idx.msk [tilespmem:v46+s16+$0x0], $0xffff  }
0x8e: {  	v53 =	vld.idx.msk [tilespmem:v48+s15+$0x0], $0xffff;
	v3 =	vadd.f32 v4, v3;
	v4 =	vmul.f32 v7, v47  }
0x8f: {  	v54 =	vor.u32 $0x31, v2;
	v7 =	vld.idx.msk [tilespmem:v48+s16+$0x0], $0xffff  }
0x90: {  	v55 =	vld.idx.msk [tilespmem:v6+s15+$0x0], $0xffff;
	v3 =	vadd.f32 v4, v3;
	v4 =	vmul.f32 v5, v49  }
0x91: {  	v5 =	vld.idx.msk [tilespmem:v6+s16+$0x0], $0xffff;
	v6 =	vor.u32 $0x32, v2  }
0x92: {  	v56 =	vld.idx.msk [tilespmem:v52+s15+$0x0], $0xffff;
	v3 =	vadd.f32 v4, v3;
	v4 =	vmul.f32 v51, v50  }
0x93: {  	v58 =	vor.u32 $0x33, v2;
	v57 =	vld.idx.msk [tilespmem:v52+s16+$0x0], $0xffff  }
0x94: {  	v59 =	vld.idx.msk [tilespmem:v54+s15+$0x0], $0xffff;
	v3 =	vadd.f32 v4, v3;
	v4 =	vmul.f32 v7, v53  }
0x95: {  	v60 =	vor.u32 $0x34, v2;
	v7 =	vld.idx.msk [tilespmem:v54+s16+$0x0], $0xffff  }
0x96: {  	v61 =	vld.idx.msk [tilespmem:v6+s15+$0x0], $0xffff;
	v3 =	vadd.f32 v4, v3;
	v4 =	vmul.f32 v5, v55  }
0x97: {  	v5 =	vld.idx.msk [tilespmem:v6+s16+$0x0], $0xffff;
	v6 =	vor.u32 $0x35, v2  }
0x98: {  	v62 =	vld.idx.msk [tilespmem:v58+s15+$0x0], $0xffff;
	v3 =	vadd.f32 v4, v3;
	v4 =	vmul.f32 v57, v56  }
0x99: {  	v16 =	vor.u32 $0x36, v2;
	v63 =	vld.idx.msk [tilespmem:v58+s16+$0x0], $0xffff  }
0x9a: {  	v17 =	vld.idx.msk [tilespmem:v60+s15+$0x0], $0xffff;
	v3 =	vadd.f32 v4, v3;
	v4 =	vmul.f32 v7, v59  }
0x9b: {  	v18 =	vor.u32 $0x37, v2;
	v7 =	vld.idx.msk [tilespmem:v60+s16+$0x0], $0xffff  }
0x9c: {  	v19 =	vld.idx.msk [tilespmem:v6+s15+$0x0], $0xffff;
	v3 =	vadd.f32 v4, v3;
	v4 =	vmul.f32 v5, v61  }
0x9d: {  	v5 =	vld.idx.msk [tilespmem:v6+s16+$0x0], $0xffff;
	v6 =	vor.u32 $0x38, v2  }
0x9e: {  	v20 =	vld.idx.msk [tilespmem:v16+s15+$0x0], $0xffff;
	v3 =	vadd.f32 v4, v3;
	v4 =	vmul.f32 v63, v62  }
0x9f: {  	v22 =	vor.u32 $0x39, v2;
	v21 =	vld.idx.msk [tilespmem:v16+s16+$0x0], $0xffff  }
0xa0: {  	v23 =	vld.idx.msk [tilespmem:v18+s15+$0x0], $0xffff;
	v3 =	vadd.f32 v4, v3;
	v4 =	vmul.f32 v7, v17  }
0xa1: {  	v24 =	vor.u32 $0x3A, v2;
	v7 =	vld.idx.msk [tilespmem:v18+s16+$0x0], $0xffff  }
0xa2: {  	v25 =	vld.idx.msk [tilespmem:v6+s15+$0x0], $0xffff;
	v3 =	vadd.f32 v4, v3;
	v4 =	vmul.f32 v5, v19  }
0xa3: {  	v5 =	vld.idx.msk [tilespmem:v6+s16+$0x0], $0xffff;
	v6 =	vor.u32 $0x3B, v2  }
0xa4: {  	v26 =	vld.idx.msk [tilespmem:v22+s15+$0x0], $0xffff;
	v3 =	vadd.f32 v4, v3;
	v4 =	vmul.f32 v21, v20  }
0xa5: {  	v28 =	vor.u32 $0x3C, v2;
	v27 =	vld.idx.msk [tilespmem:v22+s16+$0x0], $0xffff  }
0xa6: {  	v29 =	vld.idx.msk [tilespmem:v24+s15+$0x0], $0xffff;
	v3 =	vadd.f32 v4, v3;
	v4 =	vmul.f32 v7, v23  }
0xa7: {  	v30 =	vor.u32 $0x3D, v2;
	v7 =	vld.idx.msk [tilespmem:v24+s16+$0x0], $0xffff  }
0xa8: {  	v31 =	vld.idx.msk [tilespmem:v6+s15+$0x0], $0xffff;
	v3 =	vadd.f32 v4, v3;
	v4 =	vmul.f32 v5, v25  }
0xa9: {  	v5 =	vld.idx.msk [tilespmem:v6+s16+$0x0], $0xffff;
	v6 =	vor.u32 $0x3E, v2  }
0xaa: {  	v32 =	vld.idx.msk [tilespmem:v28+s15+$0x0], $0xffff;
	v3 =	vadd.f32 v4, v3;
	v4 =	vmul.f32 v27, v26  }
0xab: {  	v33 =	vld.idx.msk [tilespmem:v28+s16+$0x0], $0xffff;
	v2 =	vor.u32 $0x3F, v2  }
0xac: {  	v34 =	vld.idx.msk [tilespmem:v30+s15+$0x0], $0xffff;
	v3 =	vadd.f32 v4, v3;
	v4 =	vmul.f32 v7, v29  }
0xad: {  	v7 =	vld.idx.msk [tilespmem:v30+s16+$0x0], $0xffff  }
0xae: {  	v35 =	vld.idx.msk [tilespmem:v6+s15+$0x0], $0xffff;
	v3 =	vadd.f32 v4, v3;
	v4 =	vmul.f32 v5, v31  }
0xaf: {  	v5 =	vld.idx.msk [tilespmem:v6+s16+$0x0], $0xffff  }
0xb0: {  	v6 =	vld.idx.msk [tilespmem:v2+s15+$0x0], $0xffff;
	v3 =	vadd.f32 v4, v3;
	v4 =	vmul.f32 v33, v32  }
0xb1: {  	v2 =	vld.idx.msk [tilespmem:v2+s16+$0x0], $0xffff  }
0xb2: {  	v3 =	vadd.f32 v4, v3;
	v4 =	vmul.f32 v7, v34;
	_ =	sdelay $0x1  }
0xb3: {  	v3 =	vadd.f32 v4, v3;
	v4 =	vmul.f32 v5, v35  }
0xb4: {  	s31 =	simm.s32 $0x10  }
0xb5: {  	v5 =	vmov s31;
	v3 =	vadd.f32 v4, v3;
	v4 =	vmul.f32 v2, v6  }
0xb6: {  	v2 =	vshll.u32 v5, $0x6  }
0xb7: {  	v2 =	vor.u32 v0, v2;
	v3 =	vadd.f32 v4, v3;
	_ =	sdelay $0x1  }
0xb8: {  	s23 =	simm.s32 $0x10610;
	v4 =	vor.u32 $0x1, v2;
	[tilespmem:s21+$0x0] =	vst v3  }
0xb9: {  	s24 =	simm.s32 $0x10410;
	v3 =	vld [tilespmem:s23+$0x0]  }
0xba: {  	v5 =	vor.u32 $0x2, v2;
	v6 =	vld [tilespmem:s24+$0x0]  }
0xbb: {  	v7 =	vld.idx.msk [tilespmem:v2+s15+$0x0], $0xffff  }
0xbc: {  	v37 =	vor.u32 $0x3, v2;
	v36 =	vld.idx.msk [tilespmem:v2+s16+$0x0], $0xffff  }
0xbd: {  	v38 =	vld.idx.msk [tilespmem:v4+s15+$0x0], $0xffff  }
0xbe: {  	v39 =	vor.u32 $0x4, v2;
	v4 =	vld.idx.msk [tilespmem:v4+s16+$0x0], $0xffff  }
0xbf: {  	v40 =	vld.idx.msk [tilespmem:v5+s15+$0x0], $0xffff;
	v3 =	vadd.f32 v3, v6  }
0xc0: {  	v5 =	vld.idx.msk [tilespmem:v5+s16+$0x0], $0xffff;
	v6 =	vor.u32 $0x5, v2  }
0xc1: {  	v41 =	vld.idx.msk [tilespmem:v37+s15+$0x0], $0xffff;
	v7 =	vmul.f32 v36, v7;
	v3 =	vadd.f32 v3, v1  }
0xc2: {  	v43 =	vor.u32 $0x6, v2;
	v42 =	vld.idx.msk [tilespmem:v37+s16+$0x0], $0xffff  }
0xc3: {  	v44 =	vld.idx.msk [tilespmem:v39+s15+$0x0], $0xffff;
	v4 =	vmul.f32 v4, v38;
	v3 =	vadd.f32 v7, v3  }
0xc4: {  	v45 =	vor.u32 $0x7, v2;
	v7 =	vld.idx.msk [tilespmem:v39+s16+$0x0], $0xffff  }
0xc5: {  	v46 =	vld.idx.msk [tilespmem:v6+s15+$0x0], $0xffff;
	v3 =	vadd.f32 v4, v3;
	v4 =	vmul.f32 v5, v40  }
0xc6: {  	v5 =	vld.idx.msk [tilespmem:v6+s16+$0x0], $0xffff;
	v6 =	vor.u32 $0x8, v2  }
0xc7: {  	v47 =	vld.idx.msk [tilespmem:v43+s15+$0x0], $0xffff;
	v3 =	vadd.f32 v4, v3;
	v4 =	vmul.f32 v42, v41  }
0xc8: {  	v49 =	vor.u32 $0x9, v2;
	v48 =	vld.idx.msk [tilespmem:v43+s16+$0x0], $0xffff  }
0xc9: {  	v50 =	vld.idx.msk [tilespmem:v45+s15+$0x0], $0xffff;
	v3 =	vadd.f32 v4, v3;
	v4 =	vmul.f32 v7, v44  }
0xca: {  	v51 =	vor.u32 $0xA, v2;
	v7 =	vld.idx.msk [tilespmem:v45+s16+$0x0], $0xffff  }
0xcb: {  	v52 =	vld.idx.msk [tilespmem:v6+s15+$0x0], $0xffff;
	v3 =	vadd.f32 v4, v3;
	v4 =	vmul.f32 v5, v46  }
0xcc: {  	v5 =	vld.idx.msk [tilespmem:v6+s16+$0x0], $0xffff;
	v6 =	vor.u32 $0xB, v2  }
0xcd: {  	v53 =	vld.idx.msk [tilespmem:v49+s15+$0x0], $0xffff;
	v3 =	vadd.f32 v4, v3;
	v4 =	vmul.f32 v48, v47  }
0xce: {  	v55 =	vor.u32 $0xC, v2;
	v54 =	vld.idx.msk [tilespmem:v49+s16+$0x0], $0xffff  }
0xcf: {  	v56 =	vld.idx.msk [tilespmem:v51+s15+$0x0], $0xffff;
	v3 =	vadd.f32 v4, v3;
	v4 =	vmul.f32 v7, v50  }
0xd0: {  	v57 =	vor.u32 $0xD, v2;
	v7 =	vld.idx.msk [tilespmem:v51+s16+$0x0], $0xffff  }
0xd1: {  	v58 =	vld.idx.msk [tilespmem:v6+s15+$0x0], $0xffff;
	v3 =	vadd.f32 v4, v3;
	v4 =	vmul.f32 v5, v52  }
0xd2: {  	v5 =	vld.idx.msk [tilespmem:v6+s16+$0x0], $0xffff;
	v6 =	vor.u32 $0xE, v2  }
0xd3: {  	v59 =	vld.idx.msk [tilespmem:v55+s15+$0x0], $0xffff;
	v3 =	vadd.f32 v4, v3;
	v4 =	vmul.f32 v54, v53  }
0xd4: {  	v61 =	vor.u32 $0xF, v2;
	v60 =	vld.idx.msk [tilespmem:v55+s16+$0x0], $0xffff  }
0xd5: {  	v62 =	vld.idx.msk [tilespmem:v57+s15+$0x0], $0xffff;
	v3 =	vadd.f32 v4, v3;
	v4 =	vmul.f32 v7, v56  }
0xd6: {  	v63 =	vor.u32 $0x10, v2;
	v7 =	vld.idx.msk [tilespmem:v57+s16+$0x0], $0xffff  }
0xd7: {  	v16 =	vld.idx.msk [tilespmem:v6+s15+$0x0], $0xffff;
	v3 =	vadd.f32 v4, v3;
	v4 =	vmul.f32 v5, v58  }
0xd8: {  	v5 =	vld.idx.msk [tilespmem:v6+s16+$0x0], $0xffff;
	v6 =	vor.u32 $0x11, v2  }
0xd9: {  	v17 =	vld.idx.msk [tilespmem:v61+s15+$0x0], $0xffff;
	v3 =	vadd.f32 v4, v3;
	v4 =	vmul.f32 v60, v59  }
0xda: {  	v19 =	vor.u32 $0x12, v2;
	v18 =	vld.idx.msk [tilespmem:v61+s16+$0x0], $0xffff  }
0xdb: {  	v20 =	vld.idx.msk [tilespmem:v63+s15+$0x0], $0xffff;
	v3 =	vadd.f32 v4, v3;
	v4 =	vmul.f32 v7, v62  }
0xdc: {  	v21 =	vor.u32 $0x13, v2;
	v7 =	vld.idx.msk [tilespmem:v63+s16+$0x0], $0xffff  }
0xdd: {  	v22 =	vld.idx.msk [tilespmem:v6+s15+$0x0], $0xffff;
	v3 =	vadd.f32 v4, v3;
	v4 =	vmul.f32 v5, v16  }
0xde: {  	v5 =	vld.idx.msk [tilespmem:v6+s16+$0x0], $0xffff;
	v6 =	vor.u32 $0x14, v2  }
0xdf: {  	v23 =	vld.idx.msk [tilespmem:v19+s15+$0x0], $0xffff;
	v3 =	vadd.f32 v4, v3;
	v4 =	vmul.f32 v18, v17  }
0xe0: {  	v25 =	vor.u32 $0x15, v2;
	v24 =	vld.idx.msk [tilespmem:v19+s16+$0x0], $0xffff  }
0xe1: {  	v26 =	vld.idx.msk [tilespmem:v21+s15+$0x0], $0xffff;
	v3 =	vadd.f32 v4, v3;
	v4 =	vmul.f32 v7, v20  }
0xe2: {  	v27 =	vor.u32 $0x16, v2;
	v7 =	vld.idx.msk [tilespmem:v21+s16+$0x0], $0xffff  }
0xe3: {  	v28 =	vld.idx.msk [tilespmem:v6+s15+$0x0], $0xffff;
	v3 =	vadd.f32 v4, v3;
	v4 =	vmul.f32 v5, v22  }
0xe4: {  	v5 =	vld.idx.msk [tilespmem:v6+s16+$0x0], $0xffff;
	v6 =	vor.u32 $0x17, v2  }
0xe5: {  	v29 =	vld.idx.msk [tilespmem:v25+s15+$0x0], $0xffff;
	v3 =	vadd.f32 v4, v3;
	v4 =	vmul.f32 v24, v23  }
0xe6: {  	v31 =	vor.u32 $0x18, v2;
	v30 =	vld.idx.msk [tilespmem:v25+s16+$0x0], $0xffff  }
0xe7: {  	v32 =	vld.idx.msk [tilespmem:v27+s15+$0x0], $0xffff;
	v3 =	vadd.f32 v4, v3;
	v4 =	vmul.f32 v7, v26  }
0xe8: {  	v33 =	vor.u32 $0x19, v2;
	v7 =	vld.idx.msk [tilespmem:v27+s16+$0x0], $0xffff  }
0xe9: {  	v34 =	vld.idx.msk [tilespmem:v6+s15+$0x0], $0xffff;
	v3 =	vadd.f32 v4, v3;
	v4 =	vmul.f32 v5, v28  }
0xea: {  	v5 =	vld.idx.msk [tilespmem:v6+s16+$0x0], $0xffff;
	v6 =	vor.u32 $0x1A, v2  }
0xeb: {  	v35 =	vld.idx.msk [tilespmem:v31+s15+$0x0], $0xffff;
	v3 =	vadd.f32 v4, v3;
	v4 =	vmul.f32 v30, v29  }
0xec: {  	v37 =	vor.u32 $0x1B, v2;
	v36 =	vld.idx.msk [tilespmem:v31+s16+$0x0], $0xffff  }
0xed: {  	v38 =	vld.idx.msk [tilespmem:v33+s15+$0x0], $0xffff;
	v3 =	vadd.f32 v4, v3;
	v4 =	vmul.f32 v7, v32  }
0xee: {  	v39 =	vor.u32 $0x1C, v2;
	v7 =	vld.idx.msk [tilespmem:v33+s16+$0x0], $0xffff  }
0xef: {  	v40 =	vld.idx.msk [tilespmem:v6+s15+$0x0], $0xffff;
	v3 =	vadd.f32 v4, v3;
	v4 =	vmul.f32 v5, v34  }
0xf0: {  	v5 =	vld.idx.msk [tilespmem:v6+s16+$0x0], $0xffff;
	v6 =	vor.u32 $0x1D, v2  }
0xf1: {  	v41 =	vld.idx.msk [tilespmem:v37+s15+$0x0], $0xffff;
	v3 =	vadd.f32 v4, v3;
	v4 =	vmul.f32 v36, v35  }
0xf2: {  	v43 =	vor.u32 $0x1E, v2;
	v42 =	vld.idx.msk [tilespmem:v37+s16+$0x0], $0xffff  }
0xf3: {  	v44 =	vld.idx.msk [tilespmem:v39+s15+$0x0], $0xffff;
	v3 =	vadd.f32 v4, v3;
	v4 =	vmul.f32 v7, v38  }
0xf4: {  	v45 =	vor.u32 $0x1F, v2;
	v7 =	vld.idx.msk [tilespmem:v39+s16+$0x0], $0xffff  }
0xf5: {  	v46 =	vld.idx.msk [tilespmem:v6+s15+$0x0], $0xffff;
	v3 =	vadd.f32 v4, v3;
	v4 =	vmul.f32 v5, v40  }
0xf6: {  	v5 =	vld.idx.msk [tilespmem:v6+s16+$0x0], $0xffff;
	v6 =	vor.u32 $0x20, v2  }
0xf7: {  	v47 =	vld.idx.msk [tilespmem:v43+s15+$0x0], $0xffff;
	v3 =	vadd.f32 v4, v3;
	v4 =	vmul.f32 v42, v41  }
0xf8: {  	v49 =	vor.u32 $0x21, v2;
	v48 =	vld.idx.msk [tilespmem:v43+s16+$0x0], $0xffff  }
0xf9: {  	v50 =	vld.idx.msk [tilespmem:v45+s15+$0x0], $0xffff;
	v3 =	vadd.f32 v4, v3;
	v4 =	vmul.f32 v7, v44  }
0xfa: {  	v51 =	vor.u32 $0x22, v2;
	v7 =	vld.idx.msk [tilespmem:v45+s16+$0x0], $0xffff  }
0xfb: {  	v52 =	vld.idx.msk [tilespmem:v6+s15+$0x0], $0xffff;
	v3 =	vadd.f32 v4, v3;
	v4 =	vmul.f32 v5, v46  }
0xfc: {  	v5 =	vld.idx.msk [tilespmem:v6+s16+$0x0], $0xffff;
	v6 =	vor.u32 $0x23, v2  }
0xfd: {  	v53 =	vld.idx.msk [tilespmem:v49+s15+$0x0], $0xffff;
	v3 =	vadd.f32 v4, v3;
	v4 =	vmul.f32 v48, v47  }
0xfe: {  	v55 =	vor.u32 $0x24, v2;
	v54 =	vld.idx.msk [tilespmem:v49+s16+$0x0], $0xffff  }
0xff: {  	v56 =	vld.idx.msk [tilespmem:v51+s15+$0x0], $0xffff;
	v3 =	vadd.f32 v4, v3;
	v4 =	vmul.f32 v7, v50  }
0x100: {  	v57 =	vor.u32 $0x25, v2;
	v7 =	vld.idx.msk [tilespmem:v51+s16+$0x0], $0xffff  }
0x101: {  	v58 =	vld.idx.msk [tilespmem:v6+s15+$0x0], $0xffff;
	v3 =	vadd.f32 v4, v3;
	v4 =	vmul.f32 v5, v52  }
0x102: {  	v5 =	vld.idx.msk [tilespmem:v6+s16+$0x0], $0xffff;
	v6 =	vor.u32 $0x26, v2  }
0x103: {  	v59 =	vld.idx.msk [tilespmem:v55+s15+$0x0], $0xffff;
	v3 =	vadd.f32 v4, v3;
	v4 =	vmul.f32 v54, v53  }
0x104: {  	v61 =	vor.u32 $0x27, v2;
	v60 =	vld.idx.msk [tilespmem:v55+s16+$0x0], $0xffff  }
0x105: {  	v62 =	vld.idx.msk [tilespmem:v57+s15+$0x0], $0xffff;
	v3 =	vadd.f32 v4, v3;
	v4 =	vmul.f32 v7, v56  }
0x106: {  	v63 =	vor.u32 $0x28, v2;
	v7 =	vld.idx.msk [tilespmem:v57+s16+$0x0], $0xffff  }
0x107: {  	v16 =	vld.idx.msk [tilespmem:v6+s15+$0x0], $0xffff;
	v3 =	vadd.f32 v4, v3;
	v4 =	vmul.f32 v5, v58  }
0x108: {  	v5 =	vld.idx.msk [tilespmem:v6+s16+$0x0], $0xffff;
	v6 =	vor.u32 $0x29, v2  }
0x109: {  	v17 =	vld.idx.msk [tilespmem:v61+s15+$0x0], $0xffff;
	v3 =	vadd.f32 v4, v3;
	v4 =	vmul.f32 v60, v59  }
0x10a: {  	v19 =	vor.u32 $0x2A, v2;
	v18 =	vld.idx.msk [tilespmem:v61+s16+$0x0], $0xffff  }
0x10b: {  	v20 =	vld.idx.msk [tilespmem:v63+s15+$0x0], $0xffff;
	v3 =	vadd.f32 v4, v3;
	v4 =	vmul.f32 v7, v62  }
0x10c: {  	v21 =	vor.u32 $0x2B, v2;
	v7 =	vld.idx.msk [tilespmem:v63+s16+$0x0], $0xffff  }
0x10d: {  	v22 =	vld.idx.msk [tilespmem:v6+s15+$0x0], $0xffff;
	v3 =	vadd.f32 v4, v3;
	v4 =	vmul.f32 v5, v16  }
0x10e: {  	v5 =	vld.idx.msk [tilespmem:v6+s16+$0x0], $0xffff;
	v6 =	vor.u32 $0x2C, v2  }
0x10f: {  	v23 =	vld.idx.msk [tilespmem:v19+s15+$0x0], $0xffff;
	v3 =	vadd.f32 v4, v3;
	v4 =	vmul.f32 v18, v17  }
0x110: {  	v25 =	vor.u32 $0x2D, v2;
	v24 =	vld.idx.msk [tilespmem:v19+s16+$0x0], $0xffff  }
0x111: {  	v26 =	vld.idx.msk [tilespmem:v21+s15+$0x0], $0xffff;
	v3 =	vadd.f32 v4, v3;
	v4 =	vmul.f32 v7, v20  }
0x112: {  	v27 =	vor.u32 $0x2E, v2;
	v7 =	vld.idx.msk [tilespmem:v21+s16+$0x0], $0xffff  }
0x113: {  	v28 =	vld.idx.msk [tilespmem:v6+s15+$0x0], $0xffff;
	v3 =	vadd.f32 v4, v3;
	v4 =	vmul.f32 v5, v22  }
0x114: {  	v5 =	vld.idx.msk [tilespmem:v6+s16+$0x0], $0xffff;
	v6 =	vor.u32 $0x2F, v2  }
0x115: {  	v29 =	vld.idx.msk [tilespmem:v25+s15+$0x0], $0xffff;
	v3 =	vadd.f32 v4, v3;
	v4 =	vmul.f32 v24, v23  }
0x116: {  	v31 =	vor.u32 $0x30, v2;
	v30 =	vld.idx.msk [tilespmem:v25+s16+$0x0], $0xffff  }
0x117: {  	v32 =	vld.idx.msk [tilespmem:v27+s15+$0x0], $0xffff;
	v3 =	vadd.f32 v4, v3;
	v4 =	vmul.f32 v7, v26  }
0x118: {  	v33 =	vor.u32 $0x31, v2;
	v7 =	vld.idx.msk [tilespmem:v27+s16+$0x0], $0xffff  }
0x119: {  	v34 =	vld.idx.msk [tilespmem:v6+s15+$0x0], $0xffff;
	v3 =	vadd.f32 v4, v3;
	v4 =	vmul.f32 v5, v28  }
0x11a: {  	v5 =	vld.idx.msk [tilespmem:v6+s16+$0x0], $0xffff;
	v6 =	vor.u32 $0x32, v2  }
0x11b: {  	v35 =	vld.idx.msk [tilespmem:v31+s15+$0x0], $0xffff;
	v3 =	vadd.f32 v4, v3;
	v4 =	vmul.f32 v30, v29  }
0x11c: {  	v37 =	vor.u32 $0x33, v2;
	v36 =	vld.idx.msk [tilespmem:v31+s16+$0x0], $0xffff  }
0x11d: {  	v38 =	vld.idx.msk [tilespmem:v33+s15+$0x0], $0xffff;
	v3 =	vadd.f32 v4, v3;
	v4 =	vmul.f32 v7, v32  }
0x11e: {  	v39 =	vor.u32 $0x34, v2;
	v7 =	vld.idx.msk [tilespmem:v33+s16+$0x0], $0xffff  }
0x11f: {  	v40 =	vld.idx.msk [tilespmem:v6+s15+$0x0], $0xffff;
	v3 =	vadd.f32 v4, v3;
	v4 =	vmul.f32 v5, v34  }
0x120: {  	v5 =	vld.idx.msk [tilespmem:v6+s16+$0x0], $0xffff;
	v6 =	vor.u32 $0x35, v2  }
0x121: {  	v41 =	vld.idx.msk [tilespmem:v37+s15+$0x0], $0xffff;
	v3 =	vadd.f32 v4, v3;
	v4 =	vmul.f32 v36, v35  }
0x122: {  	v43 =	vor.u32 $0x36, v2;
	v42 =	vld.idx.msk [tilespmem:v37+s16+$0x0], $0xffff  }
0x123: {  	v44 =	vld.idx.msk [tilespmem:v39+s15+$0x0], $0xffff;
	v3 =	vadd.f32 v4, v3;
	v4 =	vmul.f32 v7, v38  }
0x124: {  	v45 =	vor.u32 $0x37, v2;
	v7 =	vld.idx.msk [tilespmem:v39+s16+$0x0], $0xffff  }
0x125: {  	v46 =	vld.idx.msk [tilespmem:v6+s15+$0x0], $0xffff;
	v3 =	vadd.f32 v4, v3;
	v4 =	vmul.f32 v5, v40  }
0x126: {  	v5 =	vld.idx.msk [tilespmem:v6+s16+$0x0], $0xffff;
	v6 =	vor.u32 $0x38, v2  }
0x127: {  	v47 =	vld.idx.msk [tilespmem:v43+s15+$0x0], $0xffff;
	v3 =	vadd.f32 v4, v3;
	v4 =	vmul.f32 v42, v41  }
0x128: {  	v49 =	vor.u32 $0x39, v2;
	v48 =	vld.idx.msk [tilespmem:v43+s16+$0x0], $0xffff  }
0x129: {  	v50 =	vld.idx.msk [tilespmem:v45+s15+$0x0], $0xffff;
	v3 =	vadd.f32 v4, v3;
	v4 =	vmul.f32 v7, v44  }
0x12a: {  	v51 =	vor.u32 $0x3A, v2;
	v7 =	vld.idx.msk [tilespmem:v45+s16+$0x0], $0xffff  }
0x12b: {  	v52 =	vld.idx.msk [tilespmem:v6+s15+$0x0], $0xffff;
	v3 =	vadd.f32 v4, v3;
	v4 =	vmul.f32 v5, v46  }
0x12c: {  	v5 =	vld.idx.msk [tilespmem:v6+s16+$0x0], $0xffff;
	v6 =	vor.u32 $0x3B, v2  }
0x12d: {  	v53 =	vld.idx.msk [tilespmem:v49+s15+$0x0], $0xffff;
	v3 =	vadd.f32 v4, v3;
	v4 =	vmul.f32 v48, v47  }
0x12e: {  	v55 =	vor.u32 $0x3C, v2;
	v54 =	vld.idx.msk [tilespmem:v49+s16+$0x0], $0xffff  }
0x12f: {  	v56 =	vld.idx.msk [tilespmem:v51+s15+$0x0], $0xffff;
	v3 =	vadd.f32 v4, v3;
	v4 =	vmul.f32 v7, v50  }
0x130: {  	v57 =	vor.u32 $0x3D, v2;
	v7 =	vld.idx.msk [tilespmem:v51+s16+$0x0], $0xffff  }
0x131: {  	v58 =	vld.idx.msk [tilespmem:v6+s15+$0x0], $0xffff;
	v3 =	vadd.f32 v4, v3;
	v4 =	vmul.f32 v5, v52  }
0x132: {  	v5 =	vld.idx.msk [tilespmem:v6+s16+$0x0], $0xffff;
	v6 =	vor.u32 $0x3E, v2  }
0x133: {  	v59 =	vld.idx.msk [tilespmem:v55+s15+$0x0], $0xffff;
	v3 =	vadd.f32 v4, v3;
	v4 =	vmul.f32 v54, v53  }
0x134: {  	v60 =	vld.idx.msk [tilespmem:v55+s16+$0x0], $0xffff;
	v2 =	vor.u32 $0x3F, v2  }
0x135: {  	v61 =	vld.idx.msk [tilespmem:v57+s15+$0x0], $0xffff;
	v3 =	vadd.f32 v4, v3;
	v4 =	vmul.f32 v7, v56  }
0x136: {  	v7 =	vld.idx.msk [tilespmem:v57+s16+$0x0], $0xffff  }
0x137: {  	v62 =	vld.idx.msk [tilespmem:v6+s15+$0x0], $0xffff;
	v3 =	vadd.f32 v4, v3;
	v4 =	vmul.f32 v5, v58  }
0x138: {  	v5 =	vld.idx.msk [tilespmem:v6+s16+$0x0], $0xffff  }
0x139: {  	v63 =	vld.idx.msk [tilespmem:v2+s16+$0x0], $0xffff;
	v3 =	vadd.f32 v4, v3;
	v4 =	vmul.f32 v60, v59  }
0x13a: {  	v6 =	vld.idx.msk [tilespmem:v2+s15+$0x0], $0xffff  }
0x13b: {  	v2 =	vadd.f32 v4, v3;
	v3 =	vmul.f32 v7, v61;
	_ =	sdelay $0x1  }
0x13c: {  	s25 =	simm.s32 $0x20;
	v5 =	vmul.f32 v5, v62;
	v3 =	vadd.f32 v3, v2  }
0x13d: {  	v4 =	vmov s25  }
0x13e: {  	v2 =	vshll.u32 v4, $0x6;
	v4 =	vmul.f32 v63, v6;
	v3 =	vadd.f32 v5, v3  }
0x13f: {  	s26 =	simm.s32 $0x30;
	s25 =	simm.s32 $0x10810;
	v2 =	vor.u32 v0, v2  }
.LBB2_2:
0x140: {  	p0 =	sne.s32 s26, $0x1F0;
	v3 =	vadd.f32 v4, v3  }
0x141: {  	s25 =	sadd.s32 $0x10, s25  }
0x142: {  	v4 =	vor.u32 $0x1, v2;
	[tilespmem:s25+$0x0] =	vst v3  }
0x143: {  	s23 =	sadd.s32 $0x10, s23;
	v3 =	vld.idx.msk [tilespmem:v2+s15+$0x0], $0xffff  }
0x144: {  	v6 =	vor.u32 $0x2, v2;
	s24 =	sadd.s32 $0x10, s24;
	v5 =	vld [tilespmem:s23+$0x0]  }
0x145: {  	v7 =	vld [tilespmem:s24+$0x0]  }
0x146: {  	v9 =	vor.u32 $0x3, v2;
	v8 =	vld.idx.msk [tilespmem:v2+s16+$0x0], $0xffff  }
0x147: {  	v10 =	vld.idx.msk [tilespmem:v4+s15+$0x0], $0xffff  }
0x148: {  	v11 =	vor.u32 $0x4, v2;
	v4 =	vld.idx.msk [tilespmem:v4+s16+$0x0], $0xffff  }
0x149: {  	v12 =	vld.idx.msk [tilespmem:v6+s15+$0x0], $0xffff  }
0x14a: {  	v5 =	vadd.f32 v5, v7;
	v6 =	vld.idx.msk [tilespmem:v6+s16+$0x0], $0xffff;
	v7 =	vor.u32 $0x5, v2  }
0x14b: {  	v13 =	vld.idx.msk [tilespmem:v9+s15+$0x0], $0xffff  }
0x14c: {  	v3 =	vmul.f32 v8, v3;
	v5 =	vadd.f32 v5, v1;
	v8 =	vld.idx.msk [tilespmem:v9+s16+$0x0], $0xffff;
	v9 =	vor.u32 $0x6, v2  }
0x14d: {  	v14 =	vld.idx.msk [tilespmem:v11+s15+$0x0], $0xffff  }
0x14e: {  	v4 =	vmul.f32 v4, v10;
	v10 =	vor.u32 $0x7, v2;
	v3 =	vadd.f32 v3, v5;
	v5 =	vld.idx.msk [tilespmem:v11+s16+$0x0], $0xffff  }
0x14f: {  	v11 =	vld.idx.msk [tilespmem:v7+s15+$0x0], $0xffff  }
0x150: {  	v3 =	vadd.f32 v4, v3;
	v4 =	vmul.f32 v6, v12;
	v6 =	vld.idx.msk [tilespmem:v7+s16+$0x0], $0xffff;
	v7 =	vor.u32 $0x8, v2  }
0x151: {  	v12 =	vld.idx.msk [tilespmem:v9+s15+$0x0], $0xffff  }
0x152: {  	v3 =	vadd.f32 v4, v3;
	v4 =	vmul.f32 v8, v13;
	v8 =	vld.idx.msk [tilespmem:v9+s16+$0x0], $0xffff;
	v9 =	vor.u32 $0x9, v2  }
0x153: {  	v13 =	vld.idx.msk [tilespmem:v10+s15+$0x0], $0xffff  }
0x154: {  	v3 =	vadd.f32 v4, v3;
	v4 =	vmul.f32 v5, v14;
	v5 =	vld.idx.msk [tilespmem:v10+s16+$0x0], $0xffff;
	v10 =	vor.u32 $0xA, v2  }
0x155: {  	v14 =	vld.idx.msk [tilespmem:v7+s15+$0x0], $0xffff  }
0x156: {  	v3 =	vadd.f32 v4, v3;
	v4 =	vmul.f32 v6, v11;
	v6 =	vld.idx.msk [tilespmem:v7+s16+$0x0], $0xffff;
	v7 =	vor.u32 $0xB, v2  }
0x157: {  	v11 =	vld.idx.msk [tilespmem:v9+s15+$0x0], $0xffff  }
0x158: {  	v3 =	vadd.f32 v4, v3;
	v4 =	vmul.f32 v8, v12;
	v8 =	vld.idx.msk [tilespmem:v9+s16+$0x0], $0xffff;
	v9 =	vor.u32 $0xC, v2  }
0x159: {  	v12 =	vld.idx.msk [tilespmem:v10+s15+$0x0], $0xffff  }
0x15a: {  	v3 =	vadd.f32 v4, v3;
	v4 =	vmul.f32 v5, v13;
	v5 =	vld.idx.msk [tilespmem:v10+s16+$0x0], $0xffff;
	v10 =	vor.u32 $0xD, v2  }
0x15b: {  	v13 =	vld.idx.msk [tilespmem:v7+s15+$0x0], $0xffff  }
0x15c: {  	v3 =	vadd.f32 v4, v3;
	v4 =	vmul.f32 v6, v14;
	v6 =	vld.idx.msk [tilespmem:v7+s16+$0x0], $0xffff;
	v7 =	vor.u32 $0xE, v2  }
0x15d: {  	v14 =	vld.idx.msk [tilespmem:v9+s15+$0x0], $0xffff  }
0x15e: {  	v3 =	vadd.f32 v4, v3;
	v4 =	vmul.f32 v8, v11;
	v8 =	vld.idx.msk [tilespmem:v9+s16+$0x0], $0xffff;
	v9 =	vor.u32 $0xF, v2  }
0x15f: {  	v11 =	vld.idx.msk [tilespmem:v10+s15+$0x0], $0xffff  }
0x160: {  	v3 =	vadd.f32 v4, v3;
	v4 =	vmul.f32 v5, v12;
	v5 =	vld.idx.msk [tilespmem:v10+s16+$0x0], $0xffff;
	v10 =	vor.u32 $0x10, v2  }
0x161: {  	v12 =	vld.idx.msk [tilespmem:v7+s15+$0x0], $0xffff  }
0x162: {  	v3 =	vadd.f32 v4, v3;
	v4 =	vmul.f32 v6, v13;
	v6 =	vld.idx.msk [tilespmem:v7+s16+$0x0], $0xffff;
	v7 =	vor.u32 $0x11, v2  }
0x163: {  	v13 =	vld.idx.msk [tilespmem:v9+s15+$0x0], $0xffff  }
0x164: {  	v3 =	vadd.f32 v4, v3;
	v4 =	vmul.f32 v8, v14;
	v8 =	vld.idx.msk [tilespmem:v9+s16+$0x0], $0xffff;
	v9 =	vor.u32 $0x12, v2  }
0x165: {  	v14 =	vld.idx.msk [tilespmem:v10+s15+$0x0], $0xffff  }
0x166: {  	v3 =	vadd.f32 v4, v3;
	v4 =	vmul.f32 v5, v11;
	v5 =	vld.idx.msk [tilespmem:v10+s16+$0x0], $0xffff;
	v10 =	vor.u32 $0x13, v2  }
0x167: {  	v11 =	vld.idx.msk [tilespmem:v7+s15+$0x0], $0xffff  }
0x168: {  	v3 =	vadd.f32 v4, v3;
	v4 =	vmul.f32 v6, v12;
	v6 =	vld.idx.msk [tilespmem:v7+s16+$0x0], $0xffff;
	v7 =	vor.u32 $0x14, v2  }
0x169: {  	v12 =	vld.idx.msk [tilespmem:v9+s15+$0x0], $0xffff  }
0x16a: {  	v3 =	vadd.f32 v4, v3;
	v4 =	vmul.f32 v8, v13;
	v8 =	vld.idx.msk [tilespmem:v9+s16+$0x0], $0xffff;
	v9 =	vor.u32 $0x15, v2  }
0x16b: {  	v13 =	vld.idx.msk [tilespmem:v10+s15+$0x0], $0xffff  }
0x16c: {  	v3 =	vadd.f32 v4, v3;
	v4 =	vmul.f32 v5, v14;
	v5 =	vld.idx.msk [tilespmem:v10+s16+$0x0], $0xffff;
	v10 =	vor.u32 $0x16, v2  }
0x16d: {  	v14 =	vld.idx.msk [tilespmem:v7+s15+$0x0], $0xffff  }
0x16e: {  	v3 =	vadd.f32 v4, v3;
	v4 =	vmul.f32 v6, v11;
	v6 =	vld.idx.msk [tilespmem:v7+s16+$0x0], $0xffff;
	v7 =	vor.u32 $0x17, v2  }
0x16f: {  	v11 =	vld.idx.msk [tilespmem:v9+s15+$0x0], $0xffff  }
0x170: {  	v3 =	vadd.f32 v4, v3;
	v4 =	vmul.f32 v8, v12;
	v8 =	vld.idx.msk [tilespmem:v9+s16+$0x0], $0xffff;
	v9 =	vor.u32 $0x18, v2  }
0x171: {  	v12 =	vld.idx.msk [tilespmem:v10+s15+$0x0], $0xffff  }
0x172: {  	v3 =	vadd.f32 v4, v3;
	v4 =	vmul.f32 v5, v13;
	v5 =	vld.idx.msk [tilespmem:v10+s16+$0x0], $0xffff;
	v10 =	vor.u32 $0x19, v2  }
0x173: {  	v13 =	vld.idx.msk [tilespmem:v7+s15+$0x0], $0xffff  }
0x174: {  	v3 =	vadd.f32 v4, v3;
	v4 =	vmul.f32 v6, v14;
	v6 =	vld.idx.msk [tilespmem:v7+s16+$0x0], $0xffff;
	v7 =	vor.u32 $0x1A, v2  }
0x175: {  	v14 =	vld.idx.msk [tilespmem:v9+s15+$0x0], $0xffff  }
0x176: {  	v3 =	vadd.f32 v4, v3;
	v4 =	vmul.f32 v8, v11;
	v8 =	vld.idx.msk [tilespmem:v9+s16+$0x0], $0xffff;
	v9 =	vor.u32 $0x1B, v2  }
0x177: {  	v11 =	vld.idx.msk [tilespmem:v10+s15+$0x0], $0xffff  }
0x178: {  	v3 =	vadd.f32 v4, v3;
	v4 =	vmul.f32 v5, v12;
	v5 =	vld.idx.msk [tilespmem:v10+s16+$0x0], $0xffff;
	v10 =	vor.u32 $0x1C, v2  }
0x179: {  	v12 =	vld.idx.msk [tilespmem:v7+s15+$0x0], $0xffff  }
0x17a: {  	v3 =	vadd.f32 v4, v3;
	v4 =	vmul.f32 v6, v13;
	v6 =	vld.idx.msk [tilespmem:v7+s16+$0x0], $0xffff;
	v7 =	vor.u32 $0x1D, v2  }
0x17b: {  	v13 =	vld.idx.msk [tilespmem:v9+s15+$0x0], $0xffff  }
0x17c: {  	v3 =	vadd.f32 v4, v3;
	v4 =	vmul.f32 v8, v14;
	v8 =	vld.idx.msk [tilespmem:v9+s16+$0x0], $0xffff;
	v9 =	vor.u32 $0x1E, v2  }
0x17d: {  	v14 =	vld.idx.msk [tilespmem:v10+s15+$0x0], $0xffff  }
0x17e: {  	v3 =	vadd.f32 v4, v3;
	v4 =	vmul.f32 v5, v11;
	v5 =	vld.idx.msk [tilespmem:v10+s16+$0x0], $0xffff;
	v10 =	vor.u32 $0x1F, v2  }
0x17f: {  	v11 =	vld.idx.msk [tilespmem:v7+s15+$0x0], $0xffff  }
0x180: {  	v3 =	vadd.f32 v4, v3;
	v4 =	vmul.f32 v6, v12;
	v6 =	vld.idx.msk [tilespmem:v7+s16+$0x0], $0xffff;
	v7 =	vor.u32 $0x20, v2  }
0x181: {  	v12 =	vld.idx.msk [tilespmem:v9+s15+$0x0], $0xffff  }
0x182: {  	v3 =	vadd.f32 v4, v3;
	v4 =	vmul.f32 v8, v13;
	v8 =	vld.idx.msk [tilespmem:v9+s16+$0x0], $0xffff;
	v9 =	vor.u32 $0x21, v2  }
0x183: {  	v13 =	vld.idx.msk [tilespmem:v10+s15+$0x0], $0xffff  }
0x184: {  	v3 =	vadd.f32 v4, v3;
	v4 =	vmul.f32 v5, v14;
	v5 =	vld.idx.msk [tilespmem:v10+s16+$0x0], $0xffff;
	v10 =	vor.u32 $0x22, v2  }
0x185: {  	v14 =	vld.idx.msk [tilespmem:v7+s15+$0x0], $0xffff  }
0x186: {  	v3 =	vadd.f32 v4, v3;
	v4 =	vmul.f32 v6, v11;
	v6 =	vld.idx.msk [tilespmem:v7+s16+$0x0], $0xffff;
	v7 =	vor.u32 $0x23, v2  }
0x187: {  	v11 =	vld.idx.msk [tilespmem:v9+s15+$0x0], $0xffff  }
0x188: {  	v3 =	vadd.f32 v4, v3;
	v4 =	vmul.f32 v8, v12;
	v8 =	vld.idx.msk [tilespmem:v9+s16+$0x0], $0xffff;
	v9 =	vor.u32 $0x24, v2  }
0x189: {  	v12 =	vld.idx.msk [tilespmem:v10+s15+$0x0], $0xffff  }
0x18a: {  	v3 =	vadd.f32 v4, v3;
	v4 =	vmul.f32 v5, v13;
	v5 =	vld.idx.msk [tilespmem:v10+s16+$0x0], $0xffff;
	v10 =	vor.u32 $0x25, v2  }
0x18b: {  	v13 =	vld.idx.msk [tilespmem:v7+s15+$0x0], $0xffff  }
0x18c: {  	v3 =	vadd.f32 v4, v3;
	v4 =	vmul.f32 v6, v14;
	v6 =	vld.idx.msk [tilespmem:v7+s16+$0x0], $0xffff;
	v7 =	vor.u32 $0x26, v2  }
0x18d: {  	v14 =	vld.idx.msk [tilespmem:v9+s15+$0x0], $0xffff  }
0x18e: {  	v3 =	vadd.f32 v4, v3;
	v4 =	vmul.f32 v8, v11;
	v8 =	vld.idx.msk [tilespmem:v9+s16+$0x0], $0xffff;
	v9 =	vor.u32 $0x27, v2  }
0x18f: {  	v11 =	vld.idx.msk [tilespmem:v10+s15+$0x0], $0xffff  }
0x190: {  	v3 =	vadd.f32 v4, v3;
	v4 =	vmul.f32 v5, v12;
	v5 =	vld.idx.msk [tilespmem:v10+s16+$0x0], $0xffff;
	v10 =	vor.u32 $0x28, v2  }
0x191: {  	v12 =	vld.idx.msk [tilespmem:v7+s15+$0x0], $0xffff  }
0x192: {  	v3 =	vadd.f32 v4, v3;
	v4 =	vmul.f32 v6, v13;
	v6 =	vld.idx.msk [tilespmem:v7+s16+$0x0], $0xffff;
	v7 =	vor.u32 $0x29, v2  }
0x193: {  	v13 =	vld.idx.msk [tilespmem:v9+s15+$0x0], $0xffff  }
0x194: {  	v3 =	vadd.f32 v4, v3;
	v4 =	vmul.f32 v8, v14;
	v8 =	vld.idx.msk [tilespmem:v9+s16+$0x0], $0xffff;
	v9 =	vor.u32 $0x2A, v2  }
0x195: {  	v14 =	vld.idx.msk [tilespmem:v10+s15+$0x0], $0xffff  }
0x196: {  	v3 =	vadd.f32 v4, v3;
	v4 =	vmul.f32 v5, v11;
	v5 =	vld.idx.msk [tilespmem:v10+s16+$0x0], $0xffff;
	v10 =	vor.u32 $0x2B, v2  }
0x197: {  	v11 =	vld.idx.msk [tilespmem:v7+s15+$0x0], $0xffff  }
0x198: {  	v3 =	vadd.f32 v4, v3;
	v4 =	vmul.f32 v6, v12;
	v6 =	vld.idx.msk [tilespmem:v7+s16+$0x0], $0xffff;
	v7 =	vor.u32 $0x2C, v2  }
0x199: {  	v12 =	vld.idx.msk [tilespmem:v9+s15+$0x0], $0xffff  }
0x19a: {  	v3 =	vadd.f32 v4, v3;
	v4 =	vmul.f32 v8, v13;
	v8 =	vld.idx.msk [tilespmem:v9+s16+$0x0], $0xffff;
	v9 =	vor.u32 $0x2D, v2  }
0x19b: {  	v13 =	vld.idx.msk [tilespmem:v10+s15+$0x0], $0xffff  }
0x19c: {  	v3 =	vadd.f32 v4, v3;
	v4 =	vmul.f32 v5, v14;
	v5 =	vld.idx.msk [tilespmem:v10+s16+$0x0], $0xffff;
	v10 =	vor.u32 $0x2E, v2  }
0x19d: {  	v14 =	vld.idx.msk [tilespmem:v7+s15+$0x0], $0xffff  }
0x19e: {  	v3 =	vadd.f32 v4, v3;
	v4 =	vmul.f32 v6, v11;
	v6 =	vld.idx.msk [tilespmem:v7+s16+$0x0], $0xffff;
	v7 =	vor.u32 $0x2F, v2  }
0x19f: {  	v11 =	vld.idx.msk [tilespmem:v9+s15+$0x0], $0xffff  }
0x1a0: {  	v3 =	vadd.f32 v4, v3;
	v4 =	vmul.f32 v8, v12;
	v8 =	vld.idx.msk [tilespmem:v9+s16+$0x0], $0xffff;
	v9 =	vor.u32 $0x30, v2  }
0x1a1: {  	v12 =	vld.idx.msk [tilespmem:v10+s15+$0x0], $0xffff  }
0x1a2: {  	v3 =	vadd.f32 v4, v3;
	v4 =	vmul.f32 v5, v13;
	v5 =	vld.idx.msk [tilespmem:v10+s16+$0x0], $0xffff;
	v10 =	vor.u32 $0x31, v2  }
0x1a3: {  	v13 =	vld.idx.msk [tilespmem:v7+s15+$0x0], $0xffff  }
0x1a4: {  	v3 =	vadd.f32 v4, v3;
	v4 =	vmul.f32 v6, v14;
	v6 =	vld.idx.msk [tilespmem:v7+s16+$0x0], $0xffff;
	v7 =	vor.u32 $0x32, v2  }
0x1a5: {  	v14 =	vld.idx.msk [tilespmem:v9+s15+$0x0], $0xffff  }
0x1a6: {  	v3 =	vadd.f32 v4, v3;
	v4 =	vmul.f32 v8, v11;
	v8 =	vld.idx.msk [tilespmem:v9+s16+$0x0], $0xffff;
	v9 =	vor.u32 $0x33, v2  }
0x1a7: {  	v11 =	vld.idx.msk [tilespmem:v10+s15+$0x0], $0xffff  }
0x1a8: {  	v3 =	vadd.f32 v4, v3;
	v4 =	vmul.f32 v5, v12;
	v5 =	vld.idx.msk [tilespmem:v10+s16+$0x0], $0xffff;
	v10 =	vor.u32 $0x34, v2  }
0x1a9: {  	v12 =	vld.idx.msk [tilespmem:v7+s15+$0x0], $0xffff  }
0x1aa: {  	v3 =	vadd.f32 v4, v3;
	v4 =	vmul.f32 v6, v13;
	v6 =	vld.idx.msk [tilespmem:v7+s16+$0x0], $0xffff;
	v7 =	vor.u32 $0x35, v2  }
0x1ab: {  	v13 =	vld.idx.msk [tilespmem:v9+s15+$0x0], $0xffff  }
0x1ac: {  	v3 =	vadd.f32 v4, v3;
	v4 =	vmul.f32 v8, v14;
	v8 =	vld.idx.msk [tilespmem:v9+s16+$0x0], $0xffff;
	v9 =	vor.u32 $0x36, v2  }
0x1ad: {  	v14 =	vld.idx.msk [tilespmem:v10+s15+$0x0], $0xffff  }
0x1ae: {  	v3 =	vadd.f32 v4, v3;
	v4 =	vmul.f32 v5, v11;
	v5 =	vld.idx.msk [tilespmem:v10+s16+$0x0], $0xffff;
	v10 =	vor.u32 $0x37, v2  }
0x1af: {  	v11 =	vld.idx.msk [tilespmem:v7+s15+$0x0], $0xffff  }
0x1b0: {  	v3 =	vadd.f32 v4, v3;
	v4 =	vmul.f32 v6, v12;
	v6 =	vld.idx.msk [tilespmem:v7+s16+$0x0], $0xffff;
	v7 =	vor.u32 $0x38, v2  }
0x1b1: {  	v12 =	vld.idx.msk [tilespmem:v9+s15+$0x0], $0xffff  }
0x1b2: {  	v3 =	vadd.f32 v4, v3;
	v4 =	vmul.f32 v8, v13;
	v8 =	vld.idx.msk [tilespmem:v9+s16+$0x0], $0xffff;
	v9 =	vor.u32 $0x39, v2  }
0x1b3: {  	v13 =	vld.idx.msk [tilespmem:v10+s15+$0x0], $0xffff  }
0x1b4: {  	v3 =	vadd.f32 v4, v3;
	v4 =	vmul.f32 v5, v14;
	v5 =	vld.idx.msk [tilespmem:v10+s16+$0x0], $0xffff;
	v10 =	vor.u32 $0x3A, v2  }
0x1b5: {  	v14 =	vld.idx.msk [tilespmem:v7+s15+$0x0], $0xffff  }
0x1b6: {  	v3 =	vadd.f32 v4, v3;
	v4 =	vmul.f32 v6, v11;
	v6 =	vld.idx.msk [tilespmem:v7+s16+$0x0], $0xffff;
	v7 =	vor.u32 $0x3B, v2  }
0x1b7: {  	v11 =	vld.idx.msk [tilespmem:v9+s15+$0x0], $0xffff  }
0x1b8: {  	v3 =	vadd.f32 v4, v3;
	v4 =	vmul.f32 v8, v12;
	v8 =	vld.idx.msk [tilespmem:v9+s16+$0x0], $0xffff;
	v9 =	vor.u32 $0x3C, v2  }
0x1b9: {  	v12 =	vld.idx.msk [tilespmem:v10+s15+$0x0], $0xffff  }
0x1ba: {  	v3 =	vadd.f32 v4, v3;
	v4 =	vmul.f32 v5, v13;
	v5 =	vld.idx.msk [tilespmem:v10+s16+$0x0], $0xffff;
	v10 =	vor.u32 $0x3D, v2  }
0x1bb: {  	v13 =	vld.idx.msk [tilespmem:v7+s15+$0x0], $0xffff  }
0x1bc: {  	v3 =	vadd.f32 v4, v3;
	v4 =	vmul.f32 v6, v14;
	v6 =	vld.idx.msk [tilespmem:v7+s16+$0x0], $0xffff;
	v7 =	vor.u32 $0x3E, v2  }
0x1bd: {  	v14 =	vld.idx.msk [tilespmem:v9+s15+$0x0], $0xffff  }
0x1be: {  	v2 =	vor.u32 $0x3F, v2;
	v3 =	vadd.f32 v4, v3;
	v4 =	vmul.f32 v8, v11;
	v8 =	vld.idx.msk [tilespmem:v9+s16+$0x0], $0xffff  }
0x1bf: {  	v9 =	vld.idx.msk [tilespmem:v10+s15+$0x0], $0xffff  }
0x1c0: {  	v3 =	vadd.f32 v4, v3;
	v4 =	vmul.f32 v5, v12;
	v5 =	vld.idx.msk [tilespmem:v10+s16+$0x0], $0xffff  }
0x1c1: {  	v10 =	vld.idx.msk [tilespmem:v7+s15+$0x0], $0xffff  }
0x1c2: {  	v3 =	vadd.f32 v4, v3;
	v4 =	vmul.f32 v6, v13;
	v6 =	vld.idx.msk [tilespmem:v7+s16+$0x0], $0xffff  }
0x1c3: {  	v7 =	vld.idx.msk [tilespmem:v2+s15+$0x0], $0xffff  }
0x1c4: {  	v3 =	vadd.f32 v4, v3;
	v4 =	vmul.f32 v8, v14;
	v8 =	vld.idx.msk [tilespmem:v2+s16+$0x0], $0xffff;
	_ =	sdelay $0x1  }
0x1c5: {  	v2 =	vadd.f32 v4, v3;
	v3 =	vmul.f32 v5, v9  }
.Ltmp0:
0x1c6: {  	(pc) =	sbr.rel @p0 .LBB2_2-.Ltmp0, $4  }
0x1c7: {  	v4 =	vmov s26;
	v5 =	vmul.f32 v6, v10;
	v3 =	vadd.f32 v3, v2  }
0x1c8: {  	v2 =	vshll.u32 v4, $0x6  }
0x1c9: {  	v2 =	vor.u32 v0, v2;
	v4 =	vmul.f32 v8, v7;
	v3 =	vadd.f32 v5, v3  }
0x1ca: {  	s26 =	sadd.s32 $0x10, s26  }
0x1cb: {  	v3 =	vadd.f32 v4, v3  }
0x1cc: {  	s25 =	sadd.s32 $0x10, s25  }
0x1cd: {  	v29 =	vor.u32 $0x1, v2;
	s23 =	sadd.s32 $0x10, s23;
	[tilespmem:s25+$0x0] =	vst v3  }
0x1ce: {  	s30 =	sadd.s32 $0x10, s24;
	v3 =	vld [tilespmem:s23+$0x0]  }
0x1cf: {  	v5 =	vor.u32 $0x2, v2;
	v6 =	vld [tilespmem:s30+$0x0]  }
0x1d0: {  	v7 =	vld.idx.msk [tilespmem:v2+s15+$0x0], $0xffff  }
0x1d1: {  	v9 =	vor.u32 $0x3, v2;
	v8 =	vld.idx.msk [tilespmem:v2+s16+$0x0], $0xffff  }
0x1d2: {  	v10 =	vld.idx.msk [tilespmem:v29+s15+$0x0], $0xffff  }
0x1d3: {  	v11 =	vor.u32 $0x4, v2;
	v4 =	vld.idx.msk [tilespmem:v29+s16+$0x0], $0xffff  }
0x1d4: {  	v12 =	vld.idx.msk [tilespmem:v5+s15+$0x0], $0xffff;
	v3 =	vadd.f32 v3, v6  }
0x1d5: {  	v30 =	vor.u32 $0x5, v2;
	v5 =	vld.idx.msk [tilespmem:v5+s16+$0x0], $0xffff  }
0x1d6: {  	v13 =	vld.idx.msk [tilespmem:v9+s15+$0x0], $0xffff;
	v1 =	vadd.f32 v3, v1;
	v3 =	vmul.f32 v8, v7  }
0x1d7: {  	v32 =	vor.u32 $0x6, v2;
	v31 =	vld.idx.msk [tilespmem:v9+s16+$0x0], $0xffff  }
0x1d8: {  	v33 =	vld.idx.msk [tilespmem:v11+s15+$0x0], $0xffff;
	v1 =	vadd.f32 v3, v1;
	v3 =	vmul.f32 v4, v10  }
0x1d9: {  	v35 =	vor.u32 $0x7, v2;
	v34 =	vld.idx.msk [tilespmem:v11+s16+$0x0], $0xffff  }
0x1da: {  	v36 =	vld.idx.msk [tilespmem:v30+s15+$0x0], $0xffff;
	v1 =	vadd.f32 v3, v1;
	v3 =	vmul.f32 v5, v12  }
0x1db: {  	v38 =	vor.u32 $0x8, v2;
	v37 =	vld.idx.msk [tilespmem:v30+s16+$0x0], $0xffff  }
0x1dc: {  	v39 =	vld.idx.msk [tilespmem:v32+s15+$0x0], $0xffff;
	v1 =	vadd.f32 v3, v1;
	v3 =	vmul.f32 v31, v13  }
0x1dd: {  	v41 =	vor.u32 $0x9, v2;
	v40 =	vld.idx.msk [tilespmem:v32+s16+$0x0], $0xffff  }
0x1de: {  	v42 =	vld.idx.msk [tilespmem:v35+s15+$0x0], $0xffff;
	v1 =	vadd.f32 v3, v1;
	v3 =	vmul.f32 v34, v33  }
0x1df: {  	v44 =	vor.u32 $0xA, v2;
	v43 =	vld.idx.msk [tilespmem:v35+s16+$0x0], $0xffff  }
0x1e0: {  	v45 =	vld.idx.msk [tilespmem:v38+s15+$0x0], $0xffff;
	v1 =	vadd.f32 v3, v1;
	v3 =	vmul.f32 v37, v36  }
0x1e1: {  	v47 =	vor.u32 $0xB, v2;
	v46 =	vld.idx.msk [tilespmem:v38+s16+$0x0], $0xffff  }
0x1e2: {  	v48 =	vld.idx.msk [tilespmem:v41+s15+$0x0], $0xffff;
	v1 =	vadd.f32 v3, v1;
	v3 =	vmul.f32 v40, v39  }
0x1e3: {  	v50 =	vor.u32 $0xC, v2;
	v49 =	vld.idx.msk [tilespmem:v41+s16+$0x0], $0xffff  }
0x1e4: {  	v51 =	vld.idx.msk [tilespmem:v44+s15+$0x0], $0xffff;
	v1 =	vadd.f32 v3, v1;
	v3 =	vmul.f32 v43, v42  }
0x1e5: {  	v53 =	vor.u32 $0xD, v2;
	v52 =	vld.idx.msk [tilespmem:v44+s16+$0x0], $0xffff  }
0x1e6: {  	v54 =	vld.idx.msk [tilespmem:v47+s15+$0x0], $0xffff;
	v1 =	vadd.f32 v3, v1;
	v3 =	vmul.f32 v46, v45  }
0x1e7: {  	v56 =	vor.u32 $0xE, v2;
	v55 =	vld.idx.msk [tilespmem:v47+s16+$0x0], $0xffff  }
0x1e8: {  	v57 =	vld.idx.msk [tilespmem:v50+s15+$0x0], $0xffff;
	v1 =	vadd.f32 v3, v1;
	v3 =	vmul.f32 v49, v48  }
0x1e9: {  	v59 =	vor.u32 $0xF, v2;
	v58 =	vld.idx.msk [tilespmem:v50+s16+$0x0], $0xffff  }
0x1ea: {  	v60 =	vld.idx.msk [tilespmem:v53+s15+$0x0], $0xffff;
	v1 =	vadd.f32 v3, v1;
	v3 =	vmul.f32 v52, v51  }
0x1eb: {  	v62 =	vor.u32 $0x10, v2;
	v61 =	vld.idx.msk [tilespmem:v53+s16+$0x0], $0xffff  }
0x1ec: {  	v63 =	vld.idx.msk [tilespmem:v56+s15+$0x0], $0xffff;
	v1 =	vadd.f32 v3, v1;
	v3 =	vmul.f32 v55, v54  }
0x1ed: {  	v17 =	vor.u32 $0x11, v2;
	v16 =	vld.idx.msk [tilespmem:v56+s16+$0x0], $0xffff  }
0x1ee: {  	v18 =	vld.idx.msk [tilespmem:v59+s15+$0x0], $0xffff;
	v1 =	vadd.f32 v3, v1;
	v3 =	vmul.f32 v58, v57  }
0x1ef: {  	v20 =	vor.u32 $0x12, v2;
	v19 =	vld.idx.msk [tilespmem:v59+s16+$0x0], $0xffff  }
0x1f0: {  	v21 =	vld.idx.msk [tilespmem:v62+s15+$0x0], $0xffff;
	v1 =	vadd.f32 v3, v1;
	v3 =	vmul.f32 v61, v60  }
0x1f1: {  	v23 =	vor.u32 $0x13, v2;
	v22 =	vld.idx.msk [tilespmem:v62+s16+$0x0], $0xffff  }
0x1f2: {  	v24 =	vld.idx.msk [tilespmem:v17+s15+$0x0], $0xffff;
	v1 =	vadd.f32 v3, v1;
	v3 =	vmul.f32 v16, v63  }
0x1f3: {  	v26 =	vor.u32 $0x14, v2;
	v25 =	vld.idx.msk [tilespmem:v17+s16+$0x0], $0xffff  }
0x1f4: {  	v27 =	vld.idx.msk [tilespmem:v20+s15+$0x0], $0xffff;
	v1 =	vadd.f32 v3, v1;
	v3 =	vmul.f32 v19, v18  }
0x1f5: {  	v28 =	vld.idx.msk [tilespmem:v20+s16+$0x0], $0xffff;
	v29 =	vor.u32 $0x15, v2  }
0x1f6: {  	v30 =	vld.idx.msk [tilespmem:v23+s15+$0x0], $0xffff;
	v1 =	vadd.f32 v3, v1;
	v3 =	vmul.f32 v22, v21  }
0x1f7: {  	v32 =	vor.u32 $0x16, v2;
	v31 =	vld.idx.msk [tilespmem:v23+s16+$0x0], $0xffff  }
0x1f8: {  	v33 =	vld.idx.msk [tilespmem:v26+s15+$0x0], $0xffff;
	v1 =	vadd.f32 v3, v1;
	v3 =	vmul.f32 v25, v24  }
0x1f9: {  	v35 =	vor.u32 $0x17, v2;
	v34 =	vld.idx.msk [tilespmem:v26+s16+$0x0], $0xffff  }
0x1fa: {  	v36 =	vld.idx.msk [tilespmem:v29+s15+$0x0], $0xffff;
	v1 =	vadd.f32 v3, v1;
	v3 =	vmul.f32 v28, v27  }
0x1fb: {  	v38 =	vor.u32 $0x18, v2;
	v37 =	vld.idx.msk [tilespmem:v29+s16+$0x0], $0xffff  }
0x1fc: {  	v39 =	vld.idx.msk [tilespmem:v32+s15+$0x0], $0xffff;
	v1 =	vadd.f32 v3, v1;
	v3 =	vmul.f32 v31, v30  }
0x1fd: {  	v41 =	vor.u32 $0x19, v2;
	v40 =	vld.idx.msk [tilespmem:v32+s16+$0x0], $0xffff  }
0x1fe: {  	v42 =	vld.idx.msk [tilespmem:v35+s15+$0x0], $0xffff;
	v1 =	vadd.f32 v3, v1;
	v3 =	vmul.f32 v34, v33  }
0x1ff: {  	v44 =	vor.u32 $0x1A, v2;
	v43 =	vld.idx.msk [tilespmem:v35+s16+$0x0], $0xffff  }
0x200: {  	v45 =	vld.idx.msk [tilespmem:v38+s15+$0x0], $0xffff;
	v1 =	vadd.f32 v3, v1;
	v3 =	vmul.f32 v37, v36  }
0x201: {  	v47 =	vor.u32 $0x1B, v2;
	v46 =	vld.idx.msk [tilespmem:v38+s16+$0x0], $0xffff  }
0x202: {  	v48 =	vld.idx.msk [tilespmem:v41+s15+$0x0], $0xffff;
	v1 =	vadd.f32 v3, v1;
	v3 =	vmul.f32 v40, v39  }
0x203: {  	v50 =	vor.u32 $0x1C, v2;
	v49 =	vld.idx.msk [tilespmem:v41+s16+$0x0], $0xffff  }
0x204: {  	v51 =	vld.idx.msk [tilespmem:v44+s15+$0x0], $0xffff;
	v1 =	vadd.f32 v3, v1;
	v3 =	vmul.f32 v43, v42  }
0x205: {  	v53 =	vor.u32 $0x1D, v2;
	v52 =	vld.idx.msk [tilespmem:v44+s16+$0x0], $0xffff  }
0x206: {  	v54 =	vld.idx.msk [tilespmem:v47+s15+$0x0], $0xffff;
	v1 =	vadd.f32 v3, v1;
	v3 =	vmul.f32 v46, v45  }
0x207: {  	v56 =	vor.u32 $0x1E, v2;
	v55 =	vld.idx.msk [tilespmem:v47+s16+$0x0], $0xffff  }
0x208: {  	v57 =	vld.idx.msk [tilespmem:v50+s15+$0x0], $0xffff;
	v1 =	vadd.f32 v3, v1;
	v3 =	vmul.f32 v49, v48  }
0x209: {  	v59 =	vor.u32 $0x1F, v2;
	v58 =	vld.idx.msk [tilespmem:v50+s16+$0x0], $0xffff  }
0x20a: {  	v60 =	vld.idx.msk [tilespmem:v53+s15+$0x0], $0xffff;
	v1 =	vadd.f32 v3, v1;
	v3 =	vmul.f32 v52, v51  }
0x20b: {  	v62 =	vor.u32 $0x20, v2;
	v61 =	vld.idx.msk [tilespmem:v53+s16+$0x0], $0xffff  }
0x20c: {  	v63 =	vld.idx.msk [tilespmem:v56+s15+$0x0], $0xffff;
	v1 =	vadd.f32 v3, v1;
	v3 =	vmul.f32 v55, v54  }
0x20d: {  	v17 =	vor.u32 $0x21, v2;
	v16 =	vld.idx.msk [tilespmem:v56+s16+$0x0], $0xffff  }
0x20e: {  	v18 =	vld.idx.msk [tilespmem:v59+s15+$0x0], $0xffff;
	v1 =	vadd.f32 v3, v1;
	v3 =	vmul.f32 v58, v57  }
0x20f: {  	v20 =	vor.u32 $0x22, v2;
	v19 =	vld.idx.msk [tilespmem:v59+s16+$0x0], $0xffff  }
0x210: {  	v21 =	vld.idx.msk [tilespmem:v62+s15+$0x0], $0xffff;
	v1 =	vadd.f32 v3, v1;
	v3 =	vmul.f32 v61, v60  }
0x211: {  	v23 =	vor.u32 $0x23, v2;
	v22 =	vld.idx.msk [tilespmem:v62+s16+$0x0], $0xffff  }
0x212: {  	v24 =	vld.idx.msk [tilespmem:v17+s15+$0x0], $0xffff;
	v1 =	vadd.f32 v3, v1;
	v3 =	vmul.f32 v16, v63  }
0x213: {  	v26 =	vor.u32 $0x24, v2;
	v25 =	vld.idx.msk [tilespmem:v17+s16+$0x0], $0xffff  }
0x214: {  	v27 =	vld.idx.msk [tilespmem:v20+s15+$0x0], $0xffff;
	v1 =	vadd.f32 v3, v1;
	v3 =	vmul.f32 v19, v18  }
0x215: {  	v29 =	vor.u32 $0x25, v2;
	v28 =	vld.idx.msk [tilespmem:v20+s16+$0x0], $0xffff  }
0x216: {  	v30 =	vld.idx.msk [tilespmem:v23+s15+$0x0], $0xffff;
	v1 =	vadd.f32 v3, v1;
	v3 =	vmul.f32 v22, v21  }
0x217: {  	v32 =	vor.u32 $0x26, v2;
	v31 =	vld.idx.msk [tilespmem:v23+s16+$0x0], $0xffff  }
0x218: {  	v33 =	vld.idx.msk [tilespmem:v26+s15+$0x0], $0xffff;
	v1 =	vadd.f32 v3, v1;
	v3 =	vmul.f32 v25, v24  }
0x219: {  	v35 =	vor.u32 $0x27, v2;
	v34 =	vld.idx.msk [tilespmem:v26+s16+$0x0], $0xffff  }
0x21a: {  	v36 =	vld.idx.msk [tilespmem:v29+s15+$0x0], $0xffff;
	v1 =	vadd.f32 v3, v1;
	v3 =	vmul.f32 v28, v27  }
0x21b: {  	v38 =	vor.u32 $0x28, v2;
	v37 =	vld.idx.msk [tilespmem:v29+s16+$0x0], $0xffff  }
0x21c: {  	v39 =	vld.idx.msk [tilespmem:v32+s15+$0x0], $0xffff;
	v1 =	vadd.f32 v3, v1;
	v3 =	vmul.f32 v31, v30  }
0x21d: {  	v41 =	vor.u32 $0x29, v2;
	v40 =	vld.idx.msk [tilespmem:v32+s16+$0x0], $0xffff  }
0x21e: {  	v42 =	vld.idx.msk [tilespmem:v35+s15+$0x0], $0xffff;
	v1 =	vadd.f32 v3, v1;
	v3 =	vmul.f32 v34, v33  }
0x21f: {  	v44 =	vor.u32 $0x2A, v2;
	v43 =	vld.idx.msk [tilespmem:v35+s16+$0x0], $0xffff  }
0x220: {  	v45 =	vld.idx.msk [tilespmem:v38+s15+$0x0], $0xffff;
	v1 =	vadd.f32 v3, v1;
	v3 =	vmul.f32 v37, v36  }
0x221: {  	v47 =	vor.u32 $0x2B, v2;
	v46 =	vld.idx.msk [tilespmem:v38+s16+$0x0], $0xffff  }
0x222: {  	v48 =	vld.idx.msk [tilespmem:v41+s15+$0x0], $0xffff;
	v1 =	vadd.f32 v3, v1;
	v3 =	vmul.f32 v40, v39  }
0x223: {  	v50 =	vor.u32 $0x2C, v2;
	v49 =	vld.idx.msk [tilespmem:v41+s16+$0x0], $0xffff  }
0x224: {  	v51 =	vld.idx.msk [tilespmem:v44+s15+$0x0], $0xffff;
	v1 =	vadd.f32 v3, v1;
	v3 =	vmul.f32 v43, v42  }
0x225: {  	v53 =	vor.u32 $0x2D, v2;
	v52 =	vld.idx.msk [tilespmem:v44+s16+$0x0], $0xffff  }
0x226: {  	v54 =	vld.idx.msk [tilespmem:v47+s15+$0x0], $0xffff;
	v1 =	vadd.f32 v3, v1;
	v3 =	vmul.f32 v46, v45  }
0x227: {  	v56 =	vor.u32 $0x2E, v2;
	v55 =	vld.idx.msk [tilespmem:v47+s16+$0x0], $0xffff  }
0x228: {  	v57 =	vld.idx.msk [tilespmem:v50+s15+$0x0], $0xffff;
	v1 =	vadd.f32 v3, v1;
	v3 =	vmul.f32 v49, v48  }
0x229: {  	v59 =	vor.u32 $0x2F, v2;
	v58 =	vld.idx.msk [tilespmem:v50+s16+$0x0], $0xffff  }
0x22a: {  	v60 =	vld.idx.msk [tilespmem:v53+s15+$0x0], $0xffff;
	v1 =	vadd.f32 v3, v1;
	v3 =	vmul.f32 v52, v51  }
0x22b: {  	v62 =	vor.u32 $0x30, v2;
	v61 =	vld.idx.msk [tilespmem:v53+s16+$0x0], $0xffff  }
0x22c: {  	v63 =	vld.idx.msk [tilespmem:v56+s15+$0x0], $0xffff;
	v1 =	vadd.f32 v3, v1;
	v3 =	vmul.f32 v55, v54  }
0x22d: {  	v17 =	vor.u32 $0x31, v2;
	v16 =	vld.idx.msk [tilespmem:v56+s16+$0x0], $0xffff  }
0x22e: {  	v18 =	vld.idx.msk [tilespmem:v59+s15+$0x0], $0xffff;
	v1 =	vadd.f32 v3, v1;
	v3 =	vmul.f32 v58, v57  }
0x22f: {  	v20 =	vor.u32 $0x32, v2;
	v19 =	vld.idx.msk [tilespmem:v59+s16+$0x0], $0xffff  }
0x230: {  	v21 =	vld.idx.msk [tilespmem:v62+s15+$0x0], $0xffff;
	v1 =	vadd.f32 v3, v1;
	v3 =	vmul.f32 v61, v60  }
0x231: {  	v23 =	vor.u32 $0x33, v2;
	v22 =	vld.idx.msk [tilespmem:v62+s16+$0x0], $0xffff  }
0x232: {  	v24 =	vld.idx.msk [tilespmem:v17+s15+$0x0], $0xffff;
	v1 =	vadd.f32 v3, v1;
	v3 =	vmul.f32 v16, v63  }
0x233: {  	v26 =	vor.u32 $0x34, v2;
	v25 =	vld.idx.msk [tilespmem:v17+s16+$0x0], $0xffff  }
0x234: {  	v27 =	vld.idx.msk [tilespmem:v20+s15+$0x0], $0xffff;
	v1 =	vadd.f32 v3, v1;
	v3 =	vmul.f32 v19, v18  }
0x235: {  	v29 =	vor.u32 $0x35, v2;
	v28 =	vld.idx.msk [tilespmem:v20+s16+$0x0], $0xffff  }
0x236: {  	v30 =	vld.idx.msk [tilespmem:v23+s15+$0x0], $0xffff;
	v1 =	vadd.f32 v3, v1;
	v3 =	vmul.f32 v22, v21  }
0x237: {  	v32 =	vor.u32 $0x36, v2;
	v31 =	vld.idx.msk [tilespmem:v23+s16+$0x0], $0xffff  }
0x238: {  	v33 =	vld.idx.msk [tilespmem:v26+s15+$0x0], $0xffff;
	v1 =	vadd.f32 v3, v1;
	v3 =	vmul.f32 v25, v24  }
0x239: {  	v35 =	vor.u32 $0x37, v2;
	v34 =	vld.idx.msk [tilespmem:v26+s16+$0x0], $0xffff  }
0x23a: {  	v36 =	vld.idx.msk [tilespmem:v29+s15+$0x0], $0xffff;
	v1 =	vadd.f32 v3, v1;
	v3 =	vmul.f32 v28, v27  }
0x23b: {  	v38 =	vor.u32 $0x38, v2;
	v37 =	vld.idx.msk [tilespmem:v29+s16+$0x0], $0xffff  }
0x23c: {  	v39 =	vld.idx.msk [tilespmem:v32+s15+$0x0], $0xffff;
	v1 =	vadd.f32 v3, v1;
	v3 =	vmul.f32 v31, v30  }
0x23d: {  	v41 =	vor.u32 $0x39, v2;
	v40 =	vld.idx.msk [tilespmem:v32+s16+$0x0], $0xffff  }
0x23e: {  	v42 =	vld.idx.msk [tilespmem:v35+s15+$0x0], $0xffff;
	v1 =	vadd.f32 v3, v1;
	v3 =	vmul.f32 v34, v33  }
0x23f: {  	v44 =	vor.u32 $0x3A, v2;
	v43 =	vld.idx.msk [tilespmem:v35+s16+$0x0], $0xffff  }
0x240: {  	v45 =	vld.idx.msk [tilespmem:v38+s15+$0x0], $0xffff;
	v1 =	vadd.f32 v3, v1;
	v3 =	vmul.f32 v37, v36  }
0x241: {  	v47 =	vor.u32 $0x3B, v2;
	v46 =	vld.idx.msk [tilespmem:v38+s16+$0x0], $0xffff  }
0x242: {  	v48 =	vld.idx.msk [tilespmem:v41+s15+$0x0], $0xffff;
	v1 =	vadd.f32 v3, v1;
	v3 =	vmul.f32 v40, v39  }
0x243: {  	v50 =	vor.u32 $0x3C, v2;
	v49 =	vld.idx.msk [tilespmem:v41+s16+$0x0], $0xffff  }
0x244: {  	v51 =	vld.idx.msk [tilespmem:v44+s15+$0x0], $0xffff;
	v1 =	vadd.f32 v3, v1;
	v3 =	vmul.f32 v43, v42  }
0x245: {  	v53 =	vor.u32 $0x3D, v2;
	v52 =	vld.idx.msk [tilespmem:v44+s16+$0x0], $0xffff  }
0x246: {  	v54 =	vld.idx.msk [tilespmem:v47+s15+$0x0], $0xffff;
	v1 =	vadd.f32 v3, v1;
	v3 =	vmul.f32 v46, v45  }
0x247: {  	v56 =	vor.u32 $0x3E, v2;
	v55 =	vld.idx.msk [tilespmem:v47+s16+$0x0], $0xffff  }
0x248: {  	v57 =	vld.idx.msk [tilespmem:v50+s15+$0x0], $0xffff;
	v1 =	vadd.f32 v3, v1;
	v3 =	vmul.f32 v49, v48  }
0x249: {  	v2 =	vor.u32 $0x3F, v2;
	v58 =	vld.idx.msk [tilespmem:v50+s16+$0x0], $0xffff  }
0x24a: {  	v59 =	vld.idx.msk [tilespmem:v53+s15+$0x0], $0xffff;
	v1 =	vadd.f32 v3, v1;
	v3 =	vmul.f32 v52, v51  }
0x24b: {  	v60 =	vld.idx.msk [tilespmem:v53+s16+$0x0], $0xffff  }
0x24c: {  	v62 =	vld.idx.msk [tilespmem:v56+s16+$0x0], $0xffff;
	v1 =	vadd.f32 v3, v1;
	v3 =	vmul.f32 v55, v54  }
0x24d: {  	v61 =	vld.idx.msk [tilespmem:v56+s15+$0x0], $0xffff  }
0x24e: {  	v63 =	vld.idx.msk [tilespmem:v2+s15+$0x0], $0xffff;
	v1 =	vadd.f32 v3, v1;
	v3 =	vmul.f32 v58, v57  }
0x24f: {  	v2 =	vld.idx.msk [tilespmem:v2+s16+$0x0], $0xffff  }
0x250: {  	v1 =	vadd.f32 v3, v1;
	v3 =	vmul.f32 v60, v59;
	_ =	sdelay $0x1  }
0x251: {  	v1 =	vadd.f32 v3, v1;
	v3 =	vmul.f32 v62, v61;
	_ =	sdelay $0x1  }
0x252: {  	v2 =	vmul.f32 v2, v63;
	v1 =	vadd.f32 v3, v1;
	_ =	sdelay $0x1  }
0x253: {  	s22 =	sadd.s32 $0x1, s22;
	v1 =	vadd.f32 v2, v1  }
0x254: {  	s31 =	sadd.s32 $0x10, s25;
	p0 =	sne.s32 s22, s11  }
.Ltmp1:
0x255: {  	[tilespmem:s31+$0x0] =	vst v1;
	(pc) =	sbr.rel @p0 .LBB2_1-.Ltmp1, $4  }
0x256: {  	[hbm4b:s10+s2] =	stream.linear.scatter [tilespmem:s21], [sflag:$0x5], $0x200, $0x38;
	[tilespmem:$0x10A10] =	vst v63  }
0x257: {  	_ =	swait.ge [sflag:s12], $0x200  }
0x258: {  	[sflag:s12] =	ssyncset.done $0x0  }
0x259: {  	[sflag:s12] =	ssyncadd.s32 $0xFFFFFE00  }
0x25a: {  	_ =	sfence.sel $0x180000  }
0x25b: {  	[bflag:$0x0] =	sbarrier.arrive $0xFFFF  }
0x25c: {  	p0 =	sne.s32 s3, $0x0;
	_ =	strace $0x90000047  }
0x25d: {  	s0 =	sadd.s32 @!p0 $0x100000, s0;
	[bflag:$0x2] =	sbarrier.arrive $0xFFFF  }
0x25e: {  	[sflag:s0] =	ssyncadd.tile.s32 @!p0 $0x1;
	_ =	shalt  }
.Lfunc_end2:
_tile_overlayer_lowered:
.L_overlay_start_2:
0x25f: {  	(tag) =	ssettag $0x2  }
0x260: {  	s0 =	rddreg [dreg:$0x0];
	s2 =	stileid.u32  }
0x261: {  	s1 =	rddreg [dreg:$0x1];
	p0 =	sne.s32 s2, $0x0  }
0x262: {  	s3 =	rddreg [dreg:$0x2];
	[bflag:$0x3] =	sbarrier.arrive $0xFFFF;
	s2 =	simm.s32 @!p0 $0x1C05  }
0x263: {  	[timem:s3], [sflag:s2] =	dma.local @!p0 [hbm:s0], s1  }
0x264: {  	s0 =	simm.s32 @!p0 $0x5  }
0x265: {  	_ =	swait.ge @!p0 [sflag:s0], s1  }
0x266: {  	s1 =	ssub.s32 @!p0 $0x0, s1;
	[sflag:s0] =	ssyncset.done @!p0 $0x0  }
0x267: {  	[sflag:s0] =	ssyncadd.s32 @!p0 s1  }
0x268: {  	[bflag:$0x3] =	sbarrier.arrive $0xFFFF  }
0x269: {  	_ =	shalt  }

</sc_bundles>
